<compile_context>
chip_gen: v7x
topology: tpu7x:2x2x1
jax: 0.10.2.dev20260603
libtpu: 0.0.44.dev20260713+nightly
codegen_flags: <defaults>
</compile_context>

<pallas_src>
import functools

import jax
import jax.numpy as jnp
from jax import lax
from jax.experimental import pallas as pl
from jax.experimental.pallas import tpu as pltpu
from jax.experimental.pallas import tpu_sc as plsc

VOCAB = 1000000
EMBED_DIM = 64
N_KNOWN = 16384
N_OOV = 4096

NC = 2
NS = 16
NW = NC * NS

KNOWN_PER_W = N_KNOWN // NW
OOV_PER_W = N_OOV // NW
GS = 32
NG = KNOWN_PER_W // GS


def _sc_kernel(table_hbm, idx_hbm, oov_hbm, out_hbm,
               idx_v, rows_v, oov_v, gat_sem):
    wid = lax.axis_index("s") * NC + lax.axis_index("c")

    pltpu.sync_copy(idx_hbm.at[wid], idx_v)

    oov_base = wid * OOV_PER_W
    pltpu.sync_copy(oov_hbm.at[pl.ds(oov_base, OOV_PER_W)], oov_v)
    pltpu.sync_copy(oov_v, out_hbm.at[pl.ds(N_KNOWN + oov_base, OOV_PER_W)])

    def group(g, carry):
        base = g * GS
        cps = []
        for v in range(GS // 16):
            ids16 = idx_v[pl.ds(base + v * 16, 16)]
            for j in range(16):
                cps.append(pltpu.async_copy(
                    table_hbm.at[pl.ds(ids16[j], 1)],
                    rows_v.at[pl.ds(base + v * 16 + j, 1)],
                    gat_sem))
        for cp in cps:
            cp.wait()
        return carry

    lax.fori_loop(0, NG, group, 0)

    pltpu.sync_copy(rows_v, out_hbm.at[pl.ds(wid * KNOWN_PER_W, KNOWN_PER_W)])


@jax.jit
def _run(table, idx2d, oov):
    k = functools.partial(
        pl.kernel,
        out_type=jax.ShapeDtypeStruct((N_KNOWN + N_OOV, EMBED_DIM), jnp.float32),
        mesh=plsc.VectorSubcoreMesh(core_axis_name="c", subcore_axis_name="s"),
        scratch_types=[
            pltpu.VMEM((KNOWN_PER_W,), jnp.int32),
            pltpu.VMEM((KNOWN_PER_W, EMBED_DIM), jnp.float32),
            pltpu.VMEM((OOV_PER_W, EMBED_DIM), jnp.float32),
            pltpu.SemaphoreType.DMA,
        ],
    )(_sc_kernel)
    return k(table, idx2d, oov)


def kernel(embedding_table, prototype_token_ids, oov_embeddings):
    idx2d = prototype_token_ids.astype(jnp.int32).reshape(NW, KNOWN_PER_W)
    return _run(embedding_table, idx2d, oov_embeddings)

# --- scband reference (transcript-rebuilt; emitter-appended) ---
"""Pipeline reference for scband-custom-prototype-manager-54949811585651 (READ-ONLY COPY).

The authoritative reference and input builder live on the scoring server;
editing this copy changes nothing except your own understanding.
"""

import jax, jax.numpy as jnp
import numpy as np

VOCAB = 1000000
EMBED_DIM = 64
N_KNOWN = 16384
N_OOV = 4096


def setup_inputs(seed: int = 0) -> dict:
    key = jax.random.key(seed)
    k1, k2, k3 = jax.random.split(key, 3)
    # Learned LLM input-embedding table (original_embeddings.weight)
    embedding_table = jax.random.normal(k1, (VOCAB, EMBED_DIM), dtype=jnp.float32) * 0.02
    # Token ids for prototypes that map to a single in-vocab token
    prototype_token_ids = jax.random.randint(k2, (N_KNOWN,), 0, VOCAB, dtype=jnp.int64)
    # Learned OOV prototype embeddings (nn.Parameter, post subword-averaging init)
    oov_embeddings = jax.random.normal(k3, (N_OOV, EMBED_DIM), dtype=jnp.float32) * 0.02
    return {
        "embedding_table": embedding_table,
        "prototype_token_ids": prototype_token_ids,
        "oov_embeddings": oov_embeddings,
    }


def reference(embedding_table, prototype_token_ids, oov_embeddings):
    # Faithful translation of get_prototype_embeddings():
    #   for each known prototype: gather original_embeddings.weight[token_id]
    #   then append the learned OOV embeddings, stacked into one matrix.
    known = jnp.take(embedding_table, prototype_token_ids, axis=0)
    prototype_embeddings = jnp.concatenate([known, oov_embeddings], axis=0)
    return prototype_embeddings

if __name__ == "__main__":
    import jax
    _d = setup_inputs()
    print(jax.jit(kernel)(*tuple(_d.values())))

</pallas_src>

<mosaic_0001>
#map = affine_map<(d0, d1) -> (0, 0)>
module attributes {stable_mosaic.version = 14 : i64} {
  func.func @_sc_kernel(%arg0: i32, %arg1: i32, %arg2: memref<1000000x64xf32, #tpu.memory_space<hbm>>, %arg3: memref<32x512xi32, #tpu.memory_space<hbm>>, %arg4: memref<4096x64xf32, #tpu.memory_space<hbm>>, %arg5: memref<20480x64xf32, #tpu.memory_space<hbm>>, %arg6: memref<512xi32, #tpu.memory_space<vmem>>, %arg7: memref<512x64xf32, #tpu.memory_space<vmem>>, %arg8: memref<128x64xf32, #tpu.memory_space<vmem>>, %arg9: memref<!tpu.dma_semaphore, #tpu.memory_space<semaphore_mem>>) attributes {dimension_semantics = [#tpu.dimension_semantics<core_parallel>, #tpu.dimension_semantics<subcore_parallel>], iteration_bounds = array<i64: 2, 16>, scalar_prefetch = 0 : i64, scratch_operands = 4 : i64, tpu.core_type = #tpu.core_type<sc_vector_subcore>, window_params = [{transform_indices = #map}, {transform_indices = #map}, {transform_indices = #map}, {transform_indices = #map}]} {
    %mul3A = arith.constant 2 : i32
    %mul3A_0 = arith.muli %arg1, %mul3A : i32
    %add3A = arith.addi %mul3A_0, %arg0 : i32
    "tpu.region"() ({
      %run_scoped3A = tpu.sem_alloc : memref<!tpu.dma_semaphore, #tpu.memory_space<semaphore_mem>>
      %dma_start3A = arith.constant 0 : i32
      %dma_start3A_12 = tpu.memref_slice %arg3[%add3A, %dma_start3A] : memref<32x512xi32, #tpu.memory_space<hbm>> -> memref<1x512xi32, #tpu.memory_space<hbm>>
      %dma_start3A_13 = tpu.memref_squeeze %dma_start3A_12 : memref<1x512xi32, #tpu.memory_space<hbm>> -> memref<512xi32, #tpu.memory_space<hbm>>
      %dma_start3A_14 = arith.constant 0 : i32
      %dma_start3A_15 = tpu.memref_slice %arg3[%add3A, %dma_start3A_14] : memref<32x512xi32, #tpu.memory_space<hbm>> -> memref<1x512xi32, #tpu.memory_space<hbm>>
      %dma_start3A_16 = tpu.memref_squeeze %dma_start3A_15 : memref<1x512xi32, #tpu.memory_space<hbm>> -> memref<512xi32, #tpu.memory_space<hbm>>
      tpu.enqueue_dma source(%dma_start3A_16 : memref<512xi32, #tpu.memory_space<hbm>>) target(%arg6 : memref<512xi32, #tpu.memory_space<vmem>>) target_semaphore(%run_scoped3A : memref<!tpu.dma_semaphore, #tpu.memory_space<semaphore_mem>>)
      %dma_wait3A = arith.constant 0 : i32
      %dma_wait3A_17 = tpu.memref_slice %arg3[%add3A, %dma_wait3A] : memref<32x512xi32, #tpu.memory_space<hbm>> -> memref<1x512xi32, #tpu.memory_space<hbm>>
      %dma_wait3A_18 = tpu.memref_squeeze %dma_wait3A_17 : memref<1x512xi32, #tpu.memory_space<hbm>> -> memref<512xi32, #tpu.memory_space<hbm>>
      %dma_wait3A_19 = arith.constant 0 : i32
      %dma_wait3A_20 = tpu.memref_slice %arg3[%add3A, %dma_wait3A_19] : memref<32x512xi32, #tpu.memory_space<hbm>> -> memref<1x512xi32, #tpu.memory_space<hbm>>
      %dma_wait3A_21 = tpu.memref_squeeze %dma_wait3A_20 : memref<1x512xi32, #tpu.memory_space<hbm>> -> memref<512xi32, #tpu.memory_space<hbm>>
      tpu.wait_dma2 semaphore(%run_scoped3A : memref<!tpu.dma_semaphore, #tpu.memory_space<semaphore_mem>>) src(%dma_wait3A_21 : memref<512xi32, #tpu.memory_space<hbm>>) dst(%arg6 : memref<512xi32, #tpu.memory_space<vmem>>)
      tpu.yield
    }) : () -> ()
    %mul3A_1 = arith.constant 128 : i32
    %mul3A_2 = arith.muli %add3A, %mul3A_1 : i32
    "tpu.region"() ({
      %run_scoped3A = tpu.sem_alloc : memref<!tpu.dma_semaphore, #tpu.memory_space<semaphore_mem>>
      %dma_start3A = arith.constant 0 : i32
      %dma_start3A_12 = tpu.memref_slice %arg4[%mul3A_2, %dma_start3A] : memref<4096x64xf32, #tpu.memory_space<hbm>> -> memref<128x64xf32, #tpu.memory_space<hbm>>
      %dma_start3A_13 = arith.constant 0 : i32
      %dma_start3A_14 = tpu.memref_slice %arg4[%mul3A_2, %dma_start3A_13] : memref<4096x64xf32, #tpu.memory_space<hbm>> -> memref<128x64xf32, #tpu.memory_space<hbm>>
      tpu.enqueue_dma source(%dma_start3A_14 : memref<128x64xf32, #tpu.memory_space<hbm>>) target(%arg8 : memref<128x64xf32, #tpu.memory_space<vmem>>) target_semaphore(%run_scoped3A : memref<!tpu.dma_semaphore, #tpu.memory_space<semaphore_mem>>)
      %dma_wait3A = arith.constant 0 : i32
      %dma_wait3A_15 = tpu.memref_slice %arg4[%mul3A_2, %dma_wait3A] : memref<4096x64xf32, #tpu.memory_space<hbm>> -> memref<128x64xf32, #tpu.memory_space<hbm>>
      %dma_wait3A_16 = arith.constant 0 : i32
      %dma_wait3A_17 = tpu.memref_slice %arg4[%mul3A_2, %dma_wait3A_16] : memref<4096x64xf32, #tpu.memory_space<hbm>> -> memref<128x64xf32, #tpu.memory_space<hbm>>
      tpu.wait_dma2 semaphore(%run_scoped3A : memref<!tpu.dma_semaphore, #tpu.memory_space<semaphore_mem>>) src(%dma_wait3A_17 : memref<128x64xf32, #tpu.memory_space<hbm>>) dst(%arg8 : memref<128x64xf32, #tpu.memory_space<vmem>>)
      tpu.yield
    }) : () -> ()
    %add3A_3 = arith.constant 16384 : i32
    %add3A_4 = arith.addi %add3A_3, %mul3A_2 : i32
    "tpu.region"() ({
      %run_scoped3A = tpu.sem_alloc : memref<!tpu.dma_semaphore, #tpu.memory_space<semaphore_mem>>
      %dma_start3A = arith.constant 0 : i32
      %dma_start3A_12 = tpu.memref_slice %arg5[%add3A_4, %dma_start3A] : memref<20480x64xf32, #tpu.memory_space<hbm>> -> memref<128x64xf32, #tpu.memory_space<hbm>>
      %dma_start3A_13 = arith.constant 0 : i32
      %dma_start3A_14 = tpu.memref_slice %arg5[%add3A_4, %dma_start3A_13] : memref<20480x64xf32, #tpu.memory_space<hbm>> -> memref<128x64xf32, #tpu.memory_space<hbm>>
      tpu.enqueue_dma source(%arg8 : memref<128x64xf32, #tpu.memory_space<vmem>>) target(%dma_start3A_14 : memref<128x64xf32, #tpu.memory_space<hbm>>) target_semaphore(%run_scoped3A : memref<!tpu.dma_semaphore, #tpu.memory_space<semaphore_mem>>)
      %dma_wait3A = arith.constant 0 : i32
      %dma_wait3A_15 = tpu.memref_slice %arg5[%add3A_4, %dma_wait3A] : memref<20480x64xf32, #tpu.memory_space<hbm>> -> memref<128x64xf32, #tpu.memory_space<hbm>>
      %dma_wait3A_16 = arith.constant 0 : i32
      %dma_wait3A_17 = tpu.memref_slice %arg5[%add3A_4, %dma_wait3A_16] : memref<20480x64xf32, #tpu.memory_space<hbm>> -> memref<128x64xf32, #tpu.memory_space<hbm>>
      tpu.wait_dma2 semaphore(%run_scoped3A : memref<!tpu.dma_semaphore, #tpu.memory_space<semaphore_mem>>) src(%arg8 : memref<128x64xf32, #tpu.memory_space<vmem>>) dst(%dma_wait3A_17 : memref<128x64xf32, #tpu.memory_space<hbm>>)
      tpu.yield
    }) : () -> ()
    %scan3A = arith.constant 0 : i32
    %scan3A_5 = arith.constant 0 : i32
    %scan3A_6 = arith.constant 16 : i32
    %scan3A_7 = arith.addi %scan3A_5, %scan3A_6 : i32
    %scan3A_8 = arith.constant 1 : i32
    scf.for %scan3A_12 = %scan3A_5 to %scan3A_7 step %scan3A_8  : i32 {
      %mul3A_13 = arith.constant 32 : i32
      %mul3A_14 = arith.muli %scan3A_12, %mul3A_13 : i32
      %add3A_15 = arith.constant 0 : i32
      %add3A_16 = arith.addi %mul3A_14, %add3A_15 : i32
      %get3A = arith.index_cast %add3A_16 : i32 to index
      %get3A_17 = tpu.vector_load %arg6[%get3A] {strides = array<i32>} : memref<512xi32, #tpu.memory_space<vmem>>, vector<16xi32>,
      %get3A_18 = vector.shape_cast %get3A_17 : vector<16xi32> to vector<16xi32>
      %slice3A = vector.extract_strided_slice %get3A_18 {offsets = [0], sizes = [1], strides = [1]} : vector<16xi32> to vector<1xi32>
      %squeeze3A = vector.extract %slice3A[0] : i32 from vector<1xi32>
      %add3A_19 = arith.constant 0 : i32
      %add3A_20 = arith.addi %mul3A_14, %add3A_19 : i32
      %add3A_21 = arith.constant 0 : i32
      %add3A_22 = arith.addi %add3A_20, %add3A_21 : i32
      %dma_start3A = arith.constant 0 : i32
      %dma_start3A_23 = tpu.memref_slice %arg7[%add3A_22, %dma_start3A] : memref<512x64xf32, #tpu.memory_space<vmem>> -> memref<1x64xf32, #tpu.memory_space<vmem>>
      %dma_start3A_24 = arith.constant 0 : i32
      %dma_start3A_25 = tpu.memref_slice %arg2[%squeeze3A, %dma_start3A_24] : memref<1000000x64xf32, #tpu.memory_space<hbm>> -> memref<1x64xf32, #tpu.memory_space<hbm>>
      %dma_start3A_26 = arith.constant 0 : i32
      %dma_start3A_27 = tpu.memref_slice %arg7[%add3A_22, %dma_start3A_26] : memref<512x64xf32, #tpu.memory_space<vmem>> -> memref<1x64xf32, #tpu.memory_space<vmem>>
      %dma_start3A_28 = arith.constant 0 : i32
      %dma_start3A_29 = tpu.memref_slice %arg2[%squeeze3A, %dma_start3A_28] : memref<1000000x64xf32, #tpu.memory_space<hbm>> -> memref<1x64xf32, #tpu.memory_space<hbm>>
      tpu.enqueue_dma source(%dma_start3A_29 : memref<1x64xf32, #tpu.memory_space<hbm>>) target(%dma_start3A_27 : memref<1x64xf32, #tpu.memory_space<vmem>>) target_semaphore(%arg9 : memref<!tpu.dma_semaphore, #tpu.memory_space<semaphore_mem>>)
      %slice3A_30 = vector.extract_strided_slice %get3A_18 {offsets = [1], sizes = [1], strides = [1]} : vector<16xi32> to vector<1xi32>
      %squeeze3A_31 = vector.extract %slice3A_30[0] : i32 from vector<1xi32>
      %add3A_32 = arith.constant 0 : i32
      %add3A_33 = arith.addi %mul3A_14, %add3A_32 : i32
      %add3A_34 = arith.constant 1 : i32
      %add3A_35 = arith.addi %add3A_33, %add3A_34 : i32
      %dma_start3A_36 = arith.constant 0 : i32
      %dma_start3A_37 = tpu.memref_slice %arg7[%add3A_35, %dma_start3A_36] : memref<512x64xf32, #tpu.memory_space<vmem>> -> memref<1x64xf32, #tpu.memory_space<vmem>>
      %dma_start3A_38 = arith.constant 0 : i32
      %dma_start3A_39 = tpu.memref_slice %arg2[%squeeze3A_31, %dma_start3A_38] : memref<1000000x64xf32, #tpu.memory_space<hbm>> -> memref<1x64xf32, #tpu.memory_space<hbm>>
      %dma_start3A_40 = arith.constant 0 : i32
      %dma_start3A_41 = tpu.memref_slice %arg7[%add3A_35, %dma_start3A_40] : memref<512x64xf32, #tpu.memory_space<vmem>> -> memref<1x64xf32, #tpu.memory_space<vmem>>
      %dma_start3A_42 = arith.constant 0 : i32
      %dma_start3A_43 = tpu.memref_slice %arg2[%squeeze3A_31, %dma_start3A_42] : memref<1000000x64xf32, #tpu.memory_space<hbm>> -> memref<1x64xf32, #tpu.memory_space<hbm>>
      tpu.enqueue_dma source(%dma_start3A_43 : memref<1x64xf32, #tpu.memory_space<hbm>>) target(%dma_start3A_41 : memref<1x64xf32, #tpu.memory_space<vmem>>) target_semaphore(%arg9 : memref<!tpu.dma_semaphore, #tpu.memory_space<semaphore_mem>>)
      %slice3A_44 = vector.extract_strided_slice %get3A_18 {offsets = [2], sizes = [1], strides = [1]} : vector<16xi32> to vector<1xi32>
      %squeeze3A_45 = vector.extract %slice3A_44[0] : i32 from vector<1xi32>
      %add3A_46 = arith.constant 0 : i32
      %add3A_47 = arith.addi %mul3A_14, %add3A_46 : i32
      %add3A_48 = arith.constant 2 : i32
      %add3A_49 = arith.addi %add3A_47, %add3A_48 : i32
      %dma_start3A_50 = arith.constant 0 : i32
      %dma_start3A_51 = tpu.memref_slice %arg7[%add3A_49, %dma_start3A_50] : memref<512x64xf32, #tpu.memory_space<vmem>> -> memref<1x64xf32, #tpu.memory_space<vmem>>
      %dma_start3A_52 = arith.constant 0 : i32
      %dma_start3A_53 = tpu.memref_slice %arg2[%squeeze3A_45, %dma_start3A_52] : memref<1000000x64xf32, #tpu.memory_space<hbm>> -> memref<1x64xf32, #tpu.memory_space<hbm>>
      %dma_start3A_54 = arith.constant 0 : i32
      %dma_start3A_55 = tpu.memref_slice %arg7[%add3A_49, %dma_start3A_54] : memref<512x64xf32, #tpu.memory_space<vmem>> -> memref<1x64xf32, #tpu.memory_space<vmem>>
      %dma_start3A_56 = arith.constant 0 : i32
      %dma_start3A_57 = tpu.memref_slice %arg2[%squeeze3A_45, %dma_start3A_56] : memref<1000000x64xf32, #tpu.memory_space<hbm>> -> memref<1x64xf32, #tpu.memory_space<hbm>>
      tpu.enqueue_dma source(%dma_start3A_57 : memref<1x64xf32, #tpu.memory_space<hbm>>) target(%dma_start3A_55 : memref<1x64xf32, #tpu.memory_space<vmem>>) target_semaphore(%arg9 : memref<!tpu.dma_semaphore, #tpu.memory_space<semaphore_mem>>)
      %slice3A_58 = vector.extract_strided_slice %get3A_18 {offsets = [3], sizes = [1], strides = [1]} : vector<16xi32> to vector<1xi32>
      %squeeze3A_59 = vector.extract %slice3A_58[0] : i32 from vector<1xi32>
      %add3A_60 = arith.constant 0 : i32
      %add3A_61 = arith.addi %mul3A_14, %add3A_60 : i32
      %add3A_62 = arith.constant 3 : i32
      %add3A_63 = arith.addi %add3A_61, %add3A_62 : i32
      %dma_start3A_64 = arith.constant 0 : i32
      %dma_start3A_65 = tpu.memref_slice %arg7[%add3A_63, %dma_start3A_64] : memref<512x64xf32, #tpu.memory_space<vmem>> -> memref<1x64xf32, #tpu.memory_space<vmem>>
      %dma_start3A_66 = arith.constant 0 : i32
      %dma_start3A_67 = tpu.memref_slice %arg2[%squeeze3A_59, %dma_start3A_66] : memref<1000000x64xf32, #tpu.memory_space<hbm>> -> memref<1x64xf32, #tpu.memory_space<hbm>>
      %dma_start3A_68 = arith.constant 0 : i32
      %dma_start3A_69 = tpu.memref_slice %arg7[%add3A_63, %dma_start3A_68] : memref<512x64xf32, #tpu.memory_space<vmem>> -> memref<1x64xf32, #tpu.memory_space<vmem>>
      %dma_start3A_70 = arith.constant 0 : i32
      %dma_start3A_71 = tpu.memref_slice %arg2[%squeeze3A_59, %dma_start3A_70] : memref<1000000x64xf32, #tpu.memory_space<hbm>> -> memref<1x64xf32, #tpu.memory_space<hbm>>
      tpu.enqueue_dma source(%dma_start3A_71 : memref<1x64xf32, #tpu.memory_space<hbm>>) target(%dma_start3A_69 : memref<1x64xf32, #tpu.memory_space<vmem>>) target_semaphore(%arg9 : memref<!tpu.dma_semaphore, #tpu.memory_space<semaphore_mem>>)
      %slice3A_72 = vector.extract_strided_slice %get3A_18 {offsets = [4], sizes = [1], strides = [1]} : vector<16xi32> to vector<1xi32>
      %squeeze3A_73 = vector.extract %slice3A_72[0] : i32 from vector<1xi32>
      %add3A_74 = arith.constant 0 : i32
      %add3A_75 = arith.addi %mul3A_14, %add3A_74 : i32
      %add3A_76 = arith.constant 4 : i32
      %add3A_77 = arith.addi %add3A_75, %add3A_76 : i32
      %dma_start3A_78 = arith.constant 0 : i32
      %dma_start3A_79 = tpu.memref_slice %arg7[%add3A_77, %dma_start3A_78] : memref<512x64xf32, #tpu.memory_space<vmem>> -> memref<1x64xf32, #tpu.memory_space<vmem>>
      %dma_start3A_80 = arith.constant 0 : i32
      %dma_start3A_81 = tpu.memref_slice %arg2[%squeeze3A_73, %dma_start3A_80] : memref<1000000x64xf32, #tpu.memory_space<hbm>> -> memref<1x64xf32, #tpu.memory_space<hbm>>
      %dma_start3A_82 = arith.constant 0 : i32
      %dma_start3A_83 = tpu.memref_slice %arg7[%add3A_77, %dma_start3A_82] : memref<512x64xf32, #tpu.memory_space<vmem>> -> memref<1x64xf32, #tpu.memory_space<vmem>>
      %dma_start3A_84 = arith.constant 0 : i32
      %dma_start3A_85 = tpu.memref_slice %arg2[%squeeze3A_73, %dma_start3A_84] : memref<1000000x64xf32, #tpu.memory_space<hbm>> -> memref<1x64xf32, #tpu.memory_space<hbm>>
      tpu.enqueue_dma source(%dma_start3A_85 : memref<1x64xf32, #tpu.memory_space<hbm>>) target(%dma_start3A_83 : memref<1x64xf32, #tpu.memory_space<vmem>>) target_semaphore(%arg9 : memref<!tpu.dma_semaphore, #tpu.memory_space<semaphore_mem>>)
      %slice3A_86 = vector.extract_strided_slice %get3A_18 {offsets = [5], sizes = [1], strides = [1]} : vector<16xi32> to vector<1xi32>
      %squeeze3A_87 = vector.extract %slice3A_86[0] : i32 from vector<1xi32>
      %add3A_88 = arith.constant 0 : i32
      %add3A_89 = arith.addi %mul3A_14, %add3A_88 : i32
      %add3A_90 = arith.constant 5 : i32
      %add3A_91 = arith.addi %add3A_89, %add3A_90 : i32
      %dma_start3A_92 = arith.constant 0 : i32
      %dma_start3A_93 = tpu.memref_slice %arg7[%add3A_91, %dma_start3A_92] : memref<512x64xf32, #tpu.memory_space<vmem>> -> memref<1x64xf32, #tpu.memory_space<vmem>>
      %dma_start3A_94 = arith.constant 0 : i32
      %dma_start3A_95 = tpu.memref_slice %arg2[%squeeze3A_87, %dma_start3A_94] : memref<1000000x64xf32, #tpu.memory_space<hbm>> -> memref<1x64xf32, #tpu.memory_space<hbm>>
      %dma_start3A_96 = arith.constant 0 : i32
      %dma_start3A_97 = tpu.memref_slice %arg7[%add3A_91, %dma_start3A_96] : memref<512x64xf32, #tpu.memory_space<vmem>> -> memref<1x64xf32, #tpu.memory_space<vmem>>
      %dma_start3A_98 = arith.constant 0 : i32
      %dma_start3A_99 = tpu.memref_slice %arg2[%squeeze3A_87, %dma_start3A_98] : memref<1000000x64xf32, #tpu.memory_space<hbm>> -> memref<1x64xf32, #tpu.memory_space<hbm>>
      tpu.enqueue_dma source(%dma_start3A_99 : memref<1x64xf32, #tpu.memory_space<hbm>>) target(%dma_start3A_97 : memref<1x64xf32, #tpu.memory_space<vmem>>) target_semaphore(%arg9 : memref<!tpu.dma_semaphore, #tpu.memory_space<semaphore_mem>>)
      %slice3A_100 = vector.extract_strided_slice %get3A_18 {offsets = [6], sizes = [1], strides = [1]} : vector<16xi32> to vector<1xi32>
      %squeeze3A_101 = vector.extract %slice3A_100[0] : i32 from vector<1xi32>
      %add3A_102 = arith.constant 0 : i32
      %add3A_103 = arith.addi %mul3A_14, %add3A_102 : i32
      %add3A_104 = arith.constant 6 : i32
      %add3A_105 = arith.addi %add3A_103, %add3A_104 : i32
      %dma_start3A_106 = arith.constant 0 : i32
      %dma_start3A_107 = tpu.memref_slice %arg7[%add3A_105, %dma_start3A_106] : memref<512x64xf32, #tpu.memory_space<vmem>> -> memref<1x64xf32, #tpu.memory_space<vmem>>
      %dma_start3A_108 = arith.constant 0 : i32
      %dma_start3A_109 = tpu.memref_slice %arg2[%squeeze3A_101, %dma_start3A_108] : memref<1000000x64xf32, #tpu.memory_space<hbm>> -> memref<1x64xf32, #tpu.memory_space<hbm>>
      %dma_start3A_110 = arith.constant 0 : i32
      %dma_start3A_111 = tpu.memref_slice %arg7[%add3A_105, %dma_start3A_110] : memref<512x64xf32, #tpu.memory_space<vmem>> -> memref<1x64xf32, #tpu.memory_space<vmem>>
      %dma_start3A_112 = arith.constant 0 : i32
      %dma_start3A_113 = tpu.memref_slice %arg2[%squeeze3A_101, %dma_start3A_112] : memref<1000000x64xf32, #tpu.memory_space<hbm>> -> memref<1x64xf32, #tpu.memory_space<hbm>>
      tpu.enqueue_dma source(%dma_start3A_113 : memref<1x64xf32, #tpu.memory_space<hbm>>) target(%dma_start3A_111 : memref<1x64xf32, #tpu.memory_space<vmem>>) target_semaphore(%arg9 : memref<!tpu.dma_semaphore, #tpu.memory_space<semaphore_mem>>)
      %slice3A_114 = vector.extract_strided_slice %get3A_18 {offsets = [7], sizes = [1], strides = [1]} : vector<16xi32> to vector<1xi32>
      %squeeze3A_115 = vector.extract %slice3A_114[0] : i32 from vector<1xi32>
      %add3A_116 = arith.constant 0 : i32
      %add3A_117 = arith.addi %mul3A_14, %add3A_116 : i32
      %add3A_118 = arith.constant 7 : i32
      %add3A_119 = arith.addi %add3A_117, %add3A_118 : i32
      %dma_start3A_120 = arith.constant 0 : i32
      %dma_start3A_121 = tpu.memref_slice %arg7[%add3A_119, %dma_start3A_120] : memref<512x64xf32, #tpu.memory_space<vmem>> -> memref<1x64xf32, #tpu.memory_space<vmem>>
      %dma_start3A_122 = arith.constant 0 : i32
      %dma_start3A_123 = tpu.memref_slice %arg2[%squeeze3A_115, %dma_start3A_122] : memref<1000000x64xf32, #tpu.memory_space<hbm>> -> memref<1x64xf32, #tpu.memory_space<hbm>>
      %dma_start3A_124 = arith.constant 0 : i32
      %dma_start3A_125 = tpu.memref_slice %arg7[%add3A_119, %dma_start3A_124] : memref<512x64xf32, #tpu.memory_space<vmem>> -> memref<1x64xf32, #tpu.memory_space<vmem>>
      %dma_start3A_126 = arith.constant 0 : i32
      %dma_start3A_127 = tpu.memref_slice %arg2[%squeeze3A_115, %dma_start3A_126] : memref<1000000x64xf32, #tpu.memory_space<hbm>> -> memref<1x64xf32, #tpu.memory_space<hbm>>
      tpu.enqueue_dma source(%dma_start3A_127 : memref<1x64xf32, #tpu.memory_space<hbm>>) target(%dma_start3A_125 : memref<1x64xf32, #tpu.memory_space<vmem>>) target_semaphore(%arg9 : memref<!tpu.dma_semaphore, #tpu.memory_space<semaphore_mem>>)
      %slice3A_128 = vector.extract_strided_slice %get3A_18 {offsets = [8], sizes = [1], strides = [1]} : vector<16xi32> to vector<1xi32>
      %squeeze3A_129 = vector.extract %slice3A_128[0] : i32 from vector<1xi32>
      %add3A_130 = arith.constant 0 : i32
      %add3A_131 = arith.addi %mul3A_14, %add3A_130 : i32
      %add3A_132 = arith.constant 8 : i32
      %add3A_133 = arith.addi %add3A_131, %add3A_132 : i32
      %dma_start3A_134 = arith.constant 0 : i32
      %dma_start3A_135 = tpu.memref_slice %arg7[%add3A_133, %dma_start3A_134] : memref<512x64xf32, #tpu.memory_space<vmem>> -> memref<1x64xf32, #tpu.memory_space<vmem>>
      %dma_start3A_136 = arith.constant 0 : i32
      %dma_start3A_137 = tpu.memref_slice %arg2[%squeeze3A_129, %dma_start3A_136] : memref<1000000x64xf32, #tpu.memory_space<hbm>> -> memref<1x64xf32, #tpu.memory_space<hbm>>
      %dma_start3A_138 = arith.constant 0 : i32
      %dma_start3A_139 = tpu.memref_slice %arg7[%add3A_133, %dma_start3A_138] : memref<512x64xf32, #tpu.memory_space<vmem>> -> memref<1x64xf32, #tpu.memory_space<vmem>>
      %dma_start3A_140 = arith.constant 0 : i32
      %dma_start3A_141 = tpu.memref_slice %arg2[%squeeze3A_129, %dma_start3A_140] : memref<1000000x64xf32, #tpu.memory_space<hbm>> -> memref<1x64xf32, #tpu.memory_space<hbm>>
      tpu.enqueue_dma source(%dma_start3A_141 : memref<1x64xf32, #tpu.memory_space<hbm>>) target(%dma_start3A_139 : memref<1x64xf32, #tpu.memory_space<vmem>>) target_semaphore(%arg9 : memref<!tpu.dma_semaphore, #tpu.memory_space<semaphore_mem>>)
      %slice3A_142 = vector.extract_strided_slice %get3A_18 {offsets = [9], sizes = [1], strides = [1]} : vector<16xi32> to vector<1xi32>
      %squeeze3A_143 = vector.extract %slice3A_142[0] : i32 from vector<1xi32>
      %add3A_144 = arith.constant 0 : i32
      %add3A_145 = arith.addi %mul3A_14, %add3A_144 : i32
      %add3A_146 = arith.constant 9 : i32
      %add3A_147 = arith.addi %add3A_145, %add3A_146 : i32
      %dma_start3A_148 = arith.constant 0 : i32
      %dma_start3A_149 = tpu.memref_slice %arg7[%add3A_147, %dma_start3A_148] : memref<512x64xf32, #tpu.memory_space<vmem>> -> memref<1x64xf32, #tpu.memory_space<vmem>>
      %dma_start3A_150 = arith.constant 0 : i32
      %dma_start3A_151 = tpu.memref_slice %arg2[%squeeze3A_143, %dma_start3A_150] : memref<1000000x64xf32, #tpu.memory_space<hbm>> -> memref<1x64xf32, #tpu.memory_space<hbm>>
      %dma_start3A_152 = arith.constant 0 : i32
      %dma_start3A_153 = tpu.memref_slice %arg7[%add3A_147, %dma_start3A_152] : memref<512x64xf32, #tpu.memory_space<vmem>> -> memref<1x64xf32, #tpu.memory_space<vmem>>
      %dma_start3A_154 = arith.constant 0 : i32
      %dma_start3A_155 = tpu.memref_slice %arg2[%squeeze3A_143, %dma_start3A_154] : memref<1000000x64xf32, #tpu.memory_space<hbm>> -> memref<1x64xf32, #tpu.memory_space<hbm>>
      tpu.enqueue_dma source(%dma_start3A_155 : memref<1x64xf32, #tpu.memory_space<hbm>>) target(%dma_start3A_153 : memref<1x64xf32, #tpu.memory_space<vmem>>) target_semaphore(%arg9 : memref<!tpu.dma_semaphore, #tpu.memory_space<semaphore_mem>>)
      %slice3A_156 = vector.extract_strided_slice %get3A_18 {offsets = [10], sizes = [1], strides = [1]} : vector<16xi32> to vector<1xi32>
      %squeeze3A_157 = vector.extract %slice3A_156[0] : i32 from vector<1xi32>
      %add3A_158 = arith.constant 0 : i32
      %add3A_159 = arith.addi %mul3A_14, %add3A_158 : i32
      %add3A_160 = arith.constant 10 : i32
      %add3A_161 = arith.addi %add3A_159, %add3A_160 : i32
      %dma_start3A_162 = arith.constant 0 : i32
      %dma_start3A_163 = tpu.memref_slice %arg7[%add3A_161, %dma_start3A_162] : memref<512x64xf32, #tpu.memory_space<vmem>> -> memref<1x64xf32, #tpu.memory_space<vmem>>
      %dma_start3A_164 = arith.constant 0 : i32
      %dma_start3A_165 = tpu.memref_slice %arg2[%squeeze3A_157, %dma_start3A_164] : memref<1000000x64xf32, #tpu.memory_space<hbm>> -> memref<1x64xf32, #tpu.memory_space<hbm>>
      %dma_start3A_166 = arith.constant 0 : i32
      %dma_start3A_167 = tpu.memref_slice %arg7[%add3A_161, %dma_start3A_166] : memref<512x64xf32, #tpu.memory_space<vmem>> -> memref<1x64xf32, #tpu.memory_space<vmem>>
      %dma_start3A_168 = arith.constant 0 : i32
      %dma_start3A_169 = tpu.memref_slice %arg2[%squeeze3A_157, %dma_start3A_168] : memref<1000000x64xf32, #tpu.memory_space<hbm>> -> memref<1x64xf32, #tpu.memory_space<hbm>>
      tpu.enqueue_dma source(%dma_start3A_169 : memref<1x64xf32, #tpu.memory_space<hbm>>) target(%dma_start3A_167 : memref<1x64xf32, #tpu.memory_space<vmem>>) target_semaphore(%arg9 : memref<!tpu.dma_semaphore, #tpu.memory_space<semaphore_mem>>)
      %slice3A_170 = vector.extract_strided_slice %get3A_18 {offsets = [11], sizes = [1], strides = [1]} : vector<16xi32> to vector<1xi32>
      %squeeze3A_171 = vector.extract %slice3A_170[0] : i32 from vector<1xi32>
      %add3A_172 = arith.constant 0 : i32
      %add3A_173 = arith.addi %mul3A_14, %add3A_172 : i32
      %add3A_174 = arith.constant 11 : i32
      %add3A_175 = arith.addi %add3A_173, %add3A_174 : i32
      %dma_start3A_176 = arith.constant 0 : i32
      %dma_start3A_177 = tpu.memref_slice %arg7[%add3A_175, %dma_start3A_176] : memref<512x64xf32, #tpu.memory_space<vmem>> -> memref<1x64xf32, #tpu.memory_space<vmem>>
      %dma_start3A_178 = arith.constant 0 : i32
      %dma_start3A_179 = tpu.memref_slice %arg2[%squeeze3A_171, %dma_start3A_178] : memref<1000000x64xf32, #tpu.memory_space<hbm>> -> memref<1x64xf32, #tpu.memory_space<hbm>>
      %dma_start3A_180 = arith.constant 0 : i32
      %dma_start3A_181 = tpu.memref_slice %arg7[%add3A_175, %dma_start3A_180] : memref<512x64xf32, #tpu.memory_space<vmem>> -> memref<1x64xf32, #tpu.memory_space<vmem>>
      %dma_start3A_182 = arith.constant 0 : i32
      %dma_start3A_183 = tpu.memref_slice %arg2[%squeeze3A_171, %dma_start3A_182] : memref<1000000x64xf32, #tpu.memory_space<hbm>> -> memref<1x64xf32, #tpu.memory_space<hbm>>
      tpu.enqueue_dma source(%dma_start3A_183 : memref<1x64xf32, #tpu.memory_space<hbm>>) target(%dma_start3A_181 : memref<1x64xf32, #tpu.memory_space<vmem>>) target_semaphore(%arg9 : memref<!tpu.dma_semaphore, #tpu.memory_space<semaphore_mem>>)
      %slice3A_184 = vector.extract_strided_slice %get3A_18 {offsets = [12], sizes = [1], strides = [1]} : vector<16xi32> to vector<1xi32>
      %squeeze3A_185 = vector.extract %slice3A_184[0] : i32 from vector<1xi32>
      %add3A_186 = arith.constant 0 : i32
      %add3A_187 = arith.addi %mul3A_14, %add3A_186 : i32
      %add3A_188 = arith.constant 12 : i32
      %add3A_189 = arith.addi %add3A_187, %add3A_188 : i32
      %dma_start3A_190 = arith.constant 0 : i32
      %dma_start3A_191 = tpu.memref_slice %arg7[%add3A_189, %dma_start3A_190] : memref<512x64xf32, #tpu.memory_space<vmem>> -> memref<1x64xf32, #tpu.memory_space<vmem>>
      %dma_start3A_192 = arith.constant 0 : i32
      %dma_start3A_193 = tpu.memref_slice %arg2[%squeeze3A_185, %dma_start3A_192] : memref<1000000x64xf32, #tpu.memory_space<hbm>> -> memref<1x64xf32, #tpu.memory_space<hbm>>
      %dma_start3A_194 = arith.constant 0 : i32
      %dma_start3A_195 = tpu.memref_slice %arg7[%add3A_189, %dma_start3A_194] : memref<512x64xf32, #tpu.memory_space<vmem>> -> memref<1x64xf32, #tpu.memory_space<vmem>>
      %dma_start3A_196 = arith.constant 0 : i32
      %dma_start3A_197 = tpu.memref_slice %arg2[%squeeze3A_185, %dma_start3A_196] : memref<1000000x64xf32, #tpu.memory_space<hbm>> -> memref<1x64xf32, #tpu.memory_space<hbm>>
      tpu.enqueue_dma source(%dma_start3A_197 : memref<1x64xf32, #tpu.memory_space<hbm>>) target(%dma_start3A_195 : memref<1x64xf32, #tpu.memory_space<vmem>>) target_semaphore(%arg9 : memref<!tpu.dma_semaphore, #tpu.memory_space<semaphore_mem>>)
      %slice3A_198 = vector.extract_strided_slice %get3A_18 {offsets = [13], sizes = [1], strides = [1]} : vector<16xi32> to vector<1xi32>
      %squeeze3A_199 = vector.extract %slice3A_198[0] : i32 from vector<1xi32>
      %add3A_200 = arith.constant 0 : i32
      %add3A_201 = arith.addi %mul3A_14, %add3A_200 : i32
      %add3A_202 = arith.constant 13 : i32
      %add3A_203 = arith.addi %add3A_201, %add3A_202 : i32
      %dma_start3A_204 = arith.constant 0 : i32
      %dma_start3A_205 = tpu.memref_slice %arg7[%add3A_203, %dma_start3A_204] : memref<512x64xf32, #tpu.memory_space<vmem>> -> memref<1x64xf32, #tpu.memory_space<vmem>>
      %dma_start3A_206 = arith.constant 0 : i32
      %dma_start3A_207 = tpu.memref_slice %arg2[%squeeze3A_199, %dma_start3A_206] : memref<1000000x64xf32, #tpu.memory_space<hbm>> -> memref<1x64xf32, #tpu.memory_space<hbm>>
      %dma_start3A_208 = arith.constant 0 : i32
      %dma_start3A_209 = tpu.memref_slice %arg7[%add3A_203, %dma_start3A_208] : memref<512x64xf32, #tpu.memory_space<vmem>> -> memref<1x64xf32, #tpu.memory_space<vmem>>
      %dma_start3A_210 = arith.constant 0 : i32
      %dma_start3A_211 = tpu.memref_slice %arg2[%squeeze3A_199, %dma_start3A_210] : memref<1000000x64xf32, #tpu.memory_space<hbm>> -> memref<1x64xf32, #tpu.memory_space<hbm>>
      tpu.enqueue_dma source(%dma_start3A_211 : memref<1x64xf32, #tpu.memory_space<hbm>>) target(%dma_start3A_209 : memref<1x64xf32, #tpu.memory_space<vmem>>) target_semaphore(%arg9 : memref<!tpu.dma_semaphore, #tpu.memory_space<semaphore_mem>>)
      %slice3A_212 = vector.extract_strided_slice %get3A_18 {offsets = [14], sizes = [1], strides = [1]} : vector<16xi32> to vector<1xi32>
      %squeeze3A_213 = vector.extract %slice3A_212[0] : i32 from vector<1xi32>
      %add3A_214 = arith.constant 0 : i32
      %add3A_215 = arith.addi %mul3A_14, %add3A_214 : i32
      %add3A_216 = arith.constant 14 : i32
      %add3A_217 = arith.addi %add3A_215, %add3A_216 : i32
      %dma_start3A_218 = arith.constant 0 : i32
      %dma_start3A_219 = tpu.memref_slice %arg7[%add3A_217, %dma_start3A_218] : memref<512x64xf32, #tpu.memory_space<vmem>> -> memref<1x64xf32, #tpu.memory_space<vmem>>
      %dma_start3A_220 = arith.constant 0 : i32
      %dma_start3A_221 = tpu.memref_slice %arg2[%squeeze3A_213, %dma_start3A_220] : memref<1000000x64xf32, #tpu.memory_space<hbm>> -> memref<1x64xf32, #tpu.memory_space<hbm>>
      %dma_start3A_222 = arith.constant 0 : i32
      %dma_start3A_223 = tpu.memref_slice %arg7[%add3A_217, %dma_start3A_222] : memref<512x64xf32, #tpu.memory_space<vmem>> -> memref<1x64xf32, #tpu.memory_space<vmem>>
      %dma_start3A_224 = arith.constant 0 : i32
      %dma_start3A_225 = tpu.memref_slice %arg2[%squeeze3A_213, %dma_start3A_224] : memref<1000000x64xf32, #tpu.memory_space<hbm>> -> memref<1x64xf32, #tpu.memory_space<hbm>>
      tpu.enqueue_dma source(%dma_start3A_225 : memref<1x64xf32, #tpu.memory_space<hbm>>) target(%dma_start3A_223 : memref<1x64xf32, #tpu.memory_space<vmem>>) target_semaphore(%arg9 : memref<!tpu.dma_semaphore, #tpu.memory_space<semaphore_mem>>)
      %slice3A_226 = vector.extract_strided_slice %get3A_18 {offsets = [15], sizes = [1], strides = [1]} : vector<16xi32> to vector<1xi32>
      %squeeze3A_227 = vector.extract %slice3A_226[0] : i32 from vector<1xi32>
      %add3A_228 = arith.constant 0 : i32
      %add3A_229 = arith.addi %mul3A_14, %add3A_228 : i32
      %add3A_230 = arith.constant 15 : i32
      %add3A_231 = arith.addi %add3A_229, %add3A_230 : i32
      %dma_start3A_232 = arith.constant 0 : i32
      %dma_start3A_233 = tpu.memref_slice %arg7[%add3A_231, %dma_start3A_232] : memref<512x64xf32, #tpu.memory_space<vmem>> -> memref<1x64xf32, #tpu.memory_space<vmem>>
      %dma_start3A_234 = arith.constant 0 : i32
      %dma_start3A_235 = tpu.memref_slice %arg2[%squeeze3A_227, %dma_start3A_234] : memref<1000000x64xf32, #tpu.memory_space<hbm>> -> memref<1x64xf32, #tpu.memory_space<hbm>>
      %dma_start3A_236 = arith.constant 0 : i32
      %dma_start3A_237 = tpu.memref_slice %arg7[%add3A_231, %dma_start3A_236] : memref<512x64xf32, #tpu.memory_space<vmem>> -> memref<1x64xf32, #tpu.memory_space<vmem>>
      %dma_start3A_238 = arith.constant 0 : i32
      %dma_start3A_239 = tpu.memref_slice %arg2[%squeeze3A_227, %dma_start3A_238] : memref<1000000x64xf32, #tpu.memory_space<hbm>> -> memref<1x64xf32, #tpu.memory_space<hbm>>
      tpu.enqueue_dma source(%dma_start3A_239 : memref<1x64xf32, #tpu.memory_space<hbm>>) target(%dma_start3A_237 : memref<1x64xf32, #tpu.memory_space<vmem>>) target_semaphore(%arg9 : memref<!tpu.dma_semaphore, #tpu.memory_space<semaphore_mem>>)
      %add3A_240 = arith.constant 16 : i32
      %add3A_241 = arith.addi %mul3A_14, %add3A_240 : i32
      %get3A_242 = arith.index_cast %add3A_241 : i32 to index
      %get3A_243 = tpu.vector_load %arg6[%get3A_242] {strides = array<i32>} : memref<512xi32, #tpu.memory_space<vmem>>, vector<16xi32>,
      %get3A_244 = vector.shape_cast %get3A_243 : vector<16xi32> to vector<16xi32>
      %slice3A_245 = vector.extract_strided_slice %get3A_244 {offsets = [0], sizes = [1], strides = [1]} : vector<16xi32> to vector<1xi32>
      %squeeze3A_246 = vector.extract %slice3A_245[0] : i32 from vector<1xi32>
      %add3A_247 = arith.constant 16 : i32
      %add3A_248 = arith.addi %mul3A_14, %add3A_247 : i32
      %add3A_249 = arith.constant 0 : i32
      %add3A_250 = arith.addi %add3A_248, %add3A_249 : i32
      %dma_start3A_251 = arith.constant 0 : i32
      %dma_start3A_252 = tpu.memref_slice %arg7[%add3A_250, %dma_start3A_251] : memref<512x64xf32, #tpu.memory_space<vmem>> -> memref<1x64xf32, #tpu.memory_space<vmem>>
      %dma_start3A_253 = arith.constant 0 : i32
      %dma_start3A_254 = tpu.memref_slice %arg2[%squeeze3A_246, %dma_start3A_253] : memref<1000000x64xf32, #tpu.memory_space<hbm>> -> memref<1x64xf32, #tpu.memory_space<hbm>>
      %dma_start3A_255 = arith.constant 0 : i32
      %dma_start3A_256 = tpu.memref_slice %arg7[%add3A_250, %dma_start3A_255] : memref<512x64xf32, #tpu.memory_space<vmem>> -> memref<1x64xf32, #tpu.memory_space<vmem>>
      %dma_start3A_257 = arith.constant 0 : i32
      %dma_start3A_258 = tpu.memref_slice %arg2[%squeeze3A_246, %dma_start3A_257] : memref<1000000x64xf32, #tpu.memory_space<hbm>> -> memref<1x64xf32, #tpu.memory_space<hbm>>
      tpu.enqueue_dma source(%dma_start3A_258 : memref<1x64xf32, #tpu.memory_space<hbm>>) target(%dma_start3A_256 : memref<1x64xf32, #tpu.memory_space<vmem>>) target_semaphore(%arg9 : memref<!tpu.dma_semaphore, #tpu.memory_space<semaphore_mem>>)
      %slice3A_259 = vector.extract_strided_slice %get3A_244 {offsets = [1], sizes = [1], strides = [1]} : vector<16xi32> to vector<1xi32>
      %squeeze3A_260 = vector.extract %slice3A_259[0] : i32 from vector<1xi32>
      %add3A_261 = arith.constant 16 : i32
      %add3A_262 = arith.addi %mul3A_14, %add3A_261 : i32
      %add3A_263 = arith.constant 1 : i32
      %add3A_264 = arith.addi %add3A_262, %add3A_263 : i32
      %dma_start3A_265 = arith.constant 0 : i32
      %dma_start3A_266 = tpu.memref_slice %arg7[%add3A_264, %dma_start3A_265] : memref<512x64xf32, #tpu.memory_space<vmem>> -> memref<1x64xf32, #tpu.memory_space<vmem>>
      %dma_start3A_267 = arith.constant 0 : i32
      %dma_start3A_268 = tpu.memref_slice %arg2[%squeeze3A_260, %dma_start3A_267] : memref<1000000x64xf32, #tpu.memory_space<hbm>> -> memref<1x64xf32, #tpu.memory_space<hbm>>
      %dma_start3A_269 = arith.constant 0 : i32
      %dma_start3A_270 = tpu.memref_slice %arg7[%add3A_264, %dma_start3A_269] : memref<512x64xf32, #tpu.memory_space<vmem>> -> memref<1x64xf32, #tpu.memory_space<vmem>>
      %dma_start3A_271 = arith.constant 0 : i32
      %dma_start3A_272 = tpu.memref_slice %arg2[%squeeze3A_260, %dma_start3A_271] : memref<1000000x64xf32, #tpu.memory_space<hbm>> -> memref<1x64xf32, #tpu.memory_space<hbm>>
      tpu.enqueue_dma source(%dma_start3A_272 : memref<1x64xf32, #tpu.memory_space<hbm>>) target(%dma_start3A_270 : memref<1x64xf32, #tpu.memory_space<vmem>>) target_semaphore(%arg9 : memref<!tpu.dma_semaphore, #tpu.memory_space<semaphore_mem>>)
      %slice3A_273 = vector.extract_strided_slice %get3A_244 {offsets = [2], sizes = [1], strides = [1]} : vector<16xi32> to vector<1xi32>
      %squeeze3A_274 = vector.extract %slice3A_273[0] : i32 from vector<1xi32>
      %add3A_275 = arith.constant 16 : i32
      %add3A_276 = arith.addi %mul3A_14, %add3A_275 : i32
      %add3A_277 = arith.constant 2 : i32
      %add3A_278 = arith.addi %add3A_276, %add3A_277 : i32
      %dma_start3A_279 = arith.constant 0 : i32
      %dma_start3A_280 = tpu.memref_slice %arg7[%add3A_278, %dma_start3A_279] : memref<512x64xf32, #tpu.memory_space<vmem>> -> memref<1x64xf32, #tpu.memory_space<vmem>>
      %dma_start3A_281 = arith.constant 0 : i32
      %dma_start3A_282 = tpu.memref_slice %arg2[%squeeze3A_274, %dma_start3A_281] : memref<1000000x64xf32, #tpu.memory_space<hbm>> -> memref<1x64xf32, #tpu.memory_space<hbm>>
      %dma_start3A_283 = arith.constant 0 : i32
      %dma_start3A_284 = tpu.memref_slice %arg7[%add3A_278, %dma_start3A_283] : memref<512x64xf32, #tpu.memory_space<vmem>> -> memref<1x64xf32, #tpu.memory_space<vmem>>
      %dma_start3A_285 = arith.constant 0 : i32
      %dma_start3A_286 = tpu.memref_slice %arg2[%squeeze3A_274, %dma_start3A_285] : memref<1000000x64xf32, #tpu.memory_space<hbm>> -> memref<1x64xf32, #tpu.memory_space<hbm>>
      tpu.enqueue_dma source(%dma_start3A_286 : memref<1x64xf32, #tpu.memory_space<hbm>>) target(%dma_start3A_284 : memref<1x64xf32, #tpu.memory_space<vmem>>) target_semaphore(%arg9 : memref<!tpu.dma_semaphore, #tpu.memory_space<semaphore_mem>>)
      %slice3A_287 = vector.extract_strided_slice %get3A_244 {offsets = [3], sizes = [1], strides = [1]} : vector<16xi32> to vector<1xi32>
      %squeeze3A_288 = vector.extract %slice3A_287[0] : i32 from vector<1xi32>
      %add3A_289 = arith.constant 16 : i32
      %add3A_290 = arith.addi %mul3A_14, %add3A_289 : i32
      %add3A_291 = arith.constant 3 : i32
      %add3A_292 = arith.addi %add3A_290, %add3A_291 : i32
      %dma_start3A_293 = arith.constant 0 : i32
      %dma_start3A_294 = tpu.memref_slice %arg7[%add3A_292, %dma_start3A_293] : memref<512x64xf32, #tpu.memory_space<vmem>> -> memref<1x64xf32, #tpu.memory_space<vmem>>
      %dma_start3A_295 = arith.constant 0 : i32
      %dma_start3A_296 = tpu.memref_slice %arg2[%squeeze3A_288, %dma_start3A_295] : memref<1000000x64xf32, #tpu.memory_space<hbm>> -> memref<1x64xf32, #tpu.memory_space<hbm>>
      %dma_start3A_297 = arith.constant 0 : i32
      %dma_start3A_298 = tpu.memref_slice %arg7[%add3A_292, %dma_start3A_297] : memref<512x64xf32, #tpu.memory_space<vmem>> -> memref<1x64xf32, #tpu.memory_space<vmem>>
      %dma_start3A_299 = arith.constant 0 : i32
      %dma_start3A_300 = tpu.memref_slice %arg2[%squeeze3A_288, %dma_start3A_299] : memref<1000000x64xf32, #tpu.memory_space<hbm>> -> memref<1x64xf32, #tpu.memory_space<hbm>>
      tpu.enqueue_dma source(%dma_start3A_300 : memref<1x64xf32, #tpu.memory_space<hbm>>) target(%dma_start3A_298 : memref<1x64xf32, #tpu.memory_space<vmem>>) target_semaphore(%arg9 : memref<!tpu.dma_semaphore, #tpu.memory_space<semaphore_mem>>)
      %slice3A_301 = vector.extract_strided_slice %get3A_244 {offsets = [4], sizes = [1], strides = [1]} : vector<16xi32> to vector<1xi32>
      %squeeze3A_302 = vector.extract %slice3A_301[0] : i32 from vector<1xi32>
      %add3A_303 = arith.constant 16 : i32
      %add3A_304 = arith.addi %mul3A_14, %add3A_303 : i32
      %add3A_305 = arith.constant 4 : i32
      %add3A_306 = arith.addi %add3A_304, %add3A_305 : i32
      %dma_start3A_307 = arith.constant 0 : i32
      %dma_start3A_308 = tpu.memref_slice %arg7[%add3A_306, %dma_start3A_307] : memref<512x64xf32, #tpu.memory_space<vmem>> -> memref<1x64xf32, #tpu.memory_space<vmem>>
      %dma_start3A_309 = arith.constant 0 : i32
      %dma_start3A_310 = tpu.memref_slice %arg2[%squeeze3A_302, %dma_start3A_309] : memref<1000000x64xf32, #tpu.memory_space<hbm>> -> memref<1x64xf32, #tpu.memory_space<hbm>>
      %dma_start3A_311 = arith.constant 0 : i32
      %dma_start3A_312 = tpu.memref_slice %arg7[%add3A_306, %dma_start3A_311] : memref<512x64xf32, #tpu.memory_space<vmem>> -> memref<1x64xf32, #tpu.memory_space<vmem>>
      %dma_start3A_313 = arith.constant 0 : i32
      %dma_start3A_314 = tpu.memref_slice %arg2[%squeeze3A_302, %dma_start3A_313] : memref<1000000x64xf32, #tpu.memory_space<hbm>> -> memref<1x64xf32, #tpu.memory_space<hbm>>
      tpu.enqueue_dma source(%dma_start3A_314 : memref<1x64xf32, #tpu.memory_space<hbm>>) target(%dma_start3A_312 : memref<1x64xf32, #tpu.memory_space<vmem>>) target_semaphore(%arg9 : memref<!tpu.dma_semaphore, #tpu.memory_space<semaphore_mem>>)
      %slice3A_315 = vector.extract_strided_slice %get3A_244 {offsets = [5], sizes = [1], strides = [1]} : vector<16xi32> to vector<1xi32>
      %squeeze3A_316 = vector.extract %slice3A_315[0] : i32 from vector<1xi32>
      %add3A_317 = arith.constant 16 : i32
      %add3A_318 = arith.addi %mul3A_14, %add3A_317 : i32
      %add3A_319 = arith.constant 5 : i32
      %add3A_320 = arith.addi %add3A_318, %add3A_319 : i32
      %dma_start3A_321 = arith.constant 0 : i32
      %dma_start3A_322 = tpu.memref_slice %arg7[%add3A_320, %dma_start3A_321] : memref<512x64xf32, #tpu.memory_space<vmem>> -> memref<1x64xf32, #tpu.memory_space<vmem>>
      %dma_start3A_323 = arith.constant 0 : i32
      %dma_start3A_324 = tpu.memref_slice %arg2[%squeeze3A_316, %dma_start3A_323] : memref<1000000x64xf32, #tpu.memory_space<hbm>> -> memref<1x64xf32, #tpu.memory_space<hbm>>
      %dma_start3A_325 = arith.constant 0 : i32
      %dma_start3A_326 = tpu.memref_slice %arg7[%add3A_320, %dma_start3A_325] : memref<512x64xf32, #tpu.memory_space<vmem>> -> memref<1x64xf32, #tpu.memory_space<vmem>>
      %dma_start3A_327 = arith.constant 0 : i32
      %dma_start3A_328 = tpu.memref_slice %arg2[%squeeze3A_316, %dma_start3A_327] : memref<1000000x64xf32, #tpu.memory_space<hbm>> -> memref<1x64xf32, #tpu.memory_space<hbm>>
      tpu.enqueue_dma source(%dma_start3A_328 : memref<1x64xf32, #tpu.memory_space<hbm>>) target(%dma_start3A_326 : memref<1x64xf32, #tpu.memory_space<vmem>>) target_semaphore(%arg9 : memref<!tpu.dma_semaphore, #tpu.memory_space<semaphore_mem>>)
      %slice3A_329 = vector.extract_strided_slice %get3A_244 {offsets = [6], sizes = [1], strides = [1]} : vector<16xi32> to vector<1xi32>
      %squeeze3A_330 = vector.extract %slice3A_329[0] : i32 from vector<1xi32>
      %add3A_331 = arith.constant 16 : i32
      %add3A_332 = arith.addi %mul3A_14, %add3A_331 : i32
      %add3A_333 = arith.constant 6 : i32
      %add3A_334 = arith.addi %add3A_332, %add3A_333 : i32
      %dma_start3A_335 = arith.constant 0 : i32
      %dma_start3A_336 = tpu.memref_slice %arg7[%add3A_334, %dma_start3A_335] : memref<512x64xf32, #tpu.memory_space<vmem>> -> memref<1x64xf32, #tpu.memory_space<vmem>>
      %dma_start3A_337 = arith.constant 0 : i32
      %dma_start3A_338 = tpu.memref_slice %arg2[%squeeze3A_330, %dma_start3A_337] : memref<1000000x64xf32, #tpu.memory_space<hbm>> -> memref<1x64xf32, #tpu.memory_space<hbm>>
      %dma_start3A_339 = arith.constant 0 : i32
      %dma_start3A_340 = tpu.memref_slice %arg7[%add3A_334, %dma_start3A_339] : memref<512x64xf32, #tpu.memory_space<vmem>> -> memref<1x64xf32, #tpu.memory_space<vmem>>
      %dma_start3A_341 = arith.constant 0 : i32
      %dma_start3A_342 = tpu.memref_slice %arg2[%squeeze3A_330, %dma_start3A_341] : memref<1000000x64xf32, #tpu.memory_space<hbm>> -> memref<1x64xf32, #tpu.memory_space<hbm>>
      tpu.enqueue_dma source(%dma_start3A_342 : memref<1x64xf32, #tpu.memory_space<hbm>>) target(%dma_start3A_340 : memref<1x64xf32, #tpu.memory_space<vmem>>) target_semaphore(%arg9 : memref<!tpu.dma_semaphore, #tpu.memory_space<semaphore_mem>>)
      %slice3A_343 = vector.extract_strided_slice %get3A_244 {offsets = [7], sizes = [1], strides = [1]} : vector<16xi32> to vector<1xi32>
      %squeeze3A_344 = vector.extract %slice3A_343[0] : i32 from vector<1xi32>
      %add3A_345 = arith.constant 16 : i32
      %add3A_346 = arith.addi %mul3A_14, %add3A_345 : i32
      %add3A_347 = arith.constant 7 : i32
      %add3A_348 = arith.addi %add3A_346, %add3A_347 : i32
      %dma_start3A_349 = arith.constant 0 : i32
      %dma_start3A_350 = tpu.memref_slice %arg7[%add3A_348, %dma_start3A_349] : memref<512x64xf32, #tpu.memory_space<vmem>> -> memref<1x64xf32, #tpu.memory_space<vmem>>
      %dma_start3A_351 = arith.constant 0 : i32
      %dma_start3A_352 = tpu.memref_slice %arg2[%squeeze3A_344, %dma_start3A_351] : memref<1000000x64xf32, #tpu.memory_space<hbm>> -> memref<1x64xf32, #tpu.memory_space<hbm>>
      %dma_start3A_353 = arith.constant 0 : i32
      %dma_start3A_354 = tpu.memref_slice %arg7[%add3A_348, %dma_start3A_353] : memref<512x64xf32, #tpu.memory_space<vmem>> -> memref<1x64xf32, #tpu.memory_space<vmem>>
      %dma_start3A_355 = arith.constant 0 : i32
      %dma_start3A_356 = tpu.memref_slice %arg2[%squeeze3A_344, %dma_start3A_355] : memref<1000000x64xf32, #tpu.memory_space<hbm>> -> memref<1x64xf32, #tpu.memory_space<hbm>>
      tpu.enqueue_dma source(%dma_start3A_356 : memref<1x64xf32, #tpu.memory_space<hbm>>) target(%dma_start3A_354 : memref<1x64xf32, #tpu.memory_space<vmem>>) target_semaphore(%arg9 : memref<!tpu.dma_semaphore, #tpu.memory_space<semaphore_mem>>)
      %slice3A_357 = vector.extract_strided_slice %get3A_244 {offsets = [8], sizes = [1], strides = [1]} : vector<16xi32> to vector<1xi32>
      %squeeze3A_358 = vector.extract %slice3A_357[0] : i32 from vector<1xi32>
      %add3A_359 = arith.constant 16 : i32
      %add3A_360 = arith.addi %mul3A_14, %add3A_359 : i32
      %add3A_361 = arith.constant 8 : i32
      %add3A_362 = arith.addi %add3A_360, %add3A_361 : i32
      %dma_start3A_363 = arith.constant 0 : i32
      %dma_start3A_364 = tpu.memref_slice %arg7[%add3A_362, %dma_start3A_363] : memref<512x64xf32, #tpu.memory_space<vmem>> -> memref<1x64xf32, #tpu.memory_space<vmem>>
      %dma_start3A_365 = arith.constant 0 : i32
      %dma_start3A_366 = tpu.memref_slice %arg2[%squeeze3A_358, %dma_start3A_365] : memref<1000000x64xf32, #tpu.memory_space<hbm>> -> memref<1x64xf32, #tpu.memory_space<hbm>>
      %dma_start3A_367 = arith.constant 0 : i32
      %dma_start3A_368 = tpu.memref_slice %arg7[%add3A_362, %dma_start3A_367] : memref<512x64xf32, #tpu.memory_space<vmem>> -> memref<1x64xf32, #tpu.memory_space<vmem>>
      %dma_start3A_369 = arith.constant 0 : i32
      %dma_start3A_370 = tpu.memref_slice %arg2[%squeeze3A_358, %dma_start3A_369] : memref<1000000x64xf32, #tpu.memory_space<hbm>> -> memref<1x64xf32, #tpu.memory_space<hbm>>
      tpu.enqueue_dma source(%dma_start3A_370 : memref<1x64xf32, #tpu.memory_space<hbm>>) target(%dma_start3A_368 : memref<1x64xf32, #tpu.memory_space<vmem>>) target_semaphore(%arg9 : memref<!tpu.dma_semaphore, #tpu.memory_space<semaphore_mem>>)
      %slice3A_371 = vector.extract_strided_slice %get3A_244 {offsets = [9], sizes = [1], strides = [1]} : vector<16xi32> to vector<1xi32>
      %squeeze3A_372 = vector.extract %slice3A_371[0] : i32 from vector<1xi32>
      %add3A_373 = arith.constant 16 : i32
      %add3A_374 = arith.addi %mul3A_14, %add3A_373 : i32
      %add3A_375 = arith.constant 9 : i32
      %add3A_376 = arith.addi %add3A_374, %add3A_375 : i32
      %dma_start3A_377 = arith.constant 0 : i32
      %dma_start3A_378 = tpu.memref_slice %arg7[%add3A_376, %dma_start3A_377] : memref<512x64xf32, #tpu.memory_space<vmem>> -> memref<1x64xf32, #tpu.memory_space<vmem>>
      %dma_start3A_379 = arith.constant 0 : i32
      %dma_start3A_380 = tpu.memref_slice %arg2[%squeeze3A_372, %dma_start3A_379] : memref<1000000x64xf32, #tpu.memory_space<hbm>> -> memref<1x64xf32, #tpu.memory_space<hbm>>
      %dma_start3A_381 = arith.constant 0 : i32
      %dma_start3A_382 = tpu.memref_slice %arg7[%add3A_376, %dma_start3A_381] : memref<512x64xf32, #tpu.memory_space<vmem>> -> memref<1x64xf32, #tpu.memory_space<vmem>>
      %dma_start3A_383 = arith.constant 0 : i32
      %dma_start3A_384 = tpu.memref_slice %arg2[%squeeze3A_372, %dma_start3A_383] : memref<1000000x64xf32, #tpu.memory_space<hbm>> -> memref<1x64xf32, #tpu.memory_space<hbm>>
      tpu.enqueue_dma source(%dma_start3A_384 : memref<1x64xf32, #tpu.memory_space<hbm>>) target(%dma_start3A_382 : memref<1x64xf32, #tpu.memory_space<vmem>>) target_semaphore(%arg9 : memref<!tpu.dma_semaphore, #tpu.memory_space<semaphore_mem>>)
      %slice3A_385 = vector.extract_strided_slice %get3A_244 {offsets = [10], sizes = [1], strides = [1]} : vector<16xi32> to vector<1xi32>
      %squeeze3A_386 = vector.extract %slice3A_385[0] : i32 from vector<1xi32>
      %add3A_387 = arith.constant 16 : i32
      %add3A_388 = arith.addi %mul3A_14, %add3A_387 : i32
      %add3A_389 = arith.constant 10 : i32
      %add3A_390 = arith.addi %add3A_388, %add3A_389 : i32
      %dma_start3A_391 = arith.constant 0 : i32
      %dma_start3A_392 = tpu.memref_slice %arg7[%add3A_390, %dma_start3A_391] : memref<512x64xf32, #tpu.memory_space<vmem>> -> memref<1x64xf32, #tpu.memory_space<vmem>>
      %dma_start3A_393 = arith.constant 0 : i32
      %dma_start3A_394 = tpu.memref_slice %arg2[%squeeze3A_386, %dma_start3A_393] : memref<1000000x64xf32, #tpu.memory_space<hbm>> -> memref<1x64xf32, #tpu.memory_space<hbm>>
      %dma_start3A_395 = arith.constant 0 : i32
      %dma_start3A_396 = tpu.memref_slice %arg7[%add3A_390, %dma_start3A_395] : memref<512x64xf32, #tpu.memory_space<vmem>> -> memref<1x64xf32, #tpu.memory_space<vmem>>
      %dma_start3A_397 = arith.constant 0 : i32
      %dma_start3A_398 = tpu.memref_slice %arg2[%squeeze3A_386, %dma_start3A_397] : memref<1000000x64xf32, #tpu.memory_space<hbm>> -> memref<1x64xf32, #tpu.memory_space<hbm>>
      tpu.enqueue_dma source(%dma_start3A_398 : memref<1x64xf32, #tpu.memory_space<hbm>>) target(%dma_start3A_396 : memref<1x64xf32, #tpu.memory_space<vmem>>) target_semaphore(%arg9 : memref<!tpu.dma_semaphore, #tpu.memory_space<semaphore_mem>>)
      %slice3A_399 = vector.extract_strided_slice %get3A_244 {offsets = [11], sizes = [1], strides = [1]} : vector<16xi32> to vector<1xi32>
      %squeeze3A_400 = vector.extract %slice3A_399[0] : i32 from vector<1xi32>
      %add3A_401 = arith.constant 16 : i32
      %add3A_402 = arith.addi %mul3A_14, %add3A_401 : i32
      %add3A_403 = arith.constant 11 : i32
      %add3A_404 = arith.addi %add3A_402, %add3A_403 : i32
      %dma_start3A_405 = arith.constant 0 : i32
      %dma_start3A_406 = tpu.memref_slice %arg7[%add3A_404, %dma_start3A_405] : memref<512x64xf32, #tpu.memory_space<vmem>> -> memref<1x64xf32, #tpu.memory_space<vmem>>
      %dma_start3A_407 = arith.constant 0 : i32
      %dma_start3A_408 = tpu.memref_slice %arg2[%squeeze3A_400, %dma_start3A_407] : memref<1000000x64xf32, #tpu.memory_space<hbm>> -> memref<1x64xf32, #tpu.memory_space<hbm>>
      %dma_start3A_409 = arith.constant 0 : i32
      %dma_start3A_410 = tpu.memref_slice %arg7[%add3A_404, %dma_start3A_409] : memref<512x64xf32, #tpu.memory_space<vmem>> -> memref<1x64xf32, #tpu.memory_space<vmem>>
      %dma_start3A_411 = arith.constant 0 : i32
      %dma_start3A_412 = tpu.memref_slice %arg2[%squeeze3A_400, %dma_start3A_411] : memref<1000000x64xf32, #tpu.memory_space<hbm>> -> memref<1x64xf32, #tpu.memory_space<hbm>>
      tpu.enqueue_dma source(%dma_start3A_412 : memref<1x64xf32, #tpu.memory_space<hbm>>) target(%dma_start3A_410 : memref<1x64xf32, #tpu.memory_space<vmem>>) target_semaphore(%arg9 : memref<!tpu.dma_semaphore, #tpu.memory_space<semaphore_mem>>)
      %slice3A_413 = vector.extract_strided_slice %get3A_244 {offsets = [12], sizes = [1], strides = [1]} : vector<16xi32> to vector<1xi32>
      %squeeze3A_414 = vector.extract %slice3A_413[0] : i32 from vector<1xi32>
      %add3A_415 = arith.constant 16 : i32
      %add3A_416 = arith.addi %mul3A_14, %add3A_415 : i32
      %add3A_417 = arith.constant 12 : i32
      %add3A_418 = arith.addi %add3A_416, %add3A_417 : i32
      %dma_start3A_419 = arith.constant 0 : i32
      %dma_start3A_420 = tpu.memref_slice %arg7[%add3A_418, %dma_start3A_419] : memref<512x64xf32, #tpu.memory_space<vmem>> -> memref<1x64xf32, #tpu.memory_space<vmem>>
      %dma_start3A_421 = arith.constant 0 : i32
      %dma_start3A_422 = tpu.memref_slice %arg2[%squeeze3A_414, %dma_start3A_421] : memref<1000000x64xf32, #tpu.memory_space<hbm>> -> memref<1x64xf32, #tpu.memory_space<hbm>>
      %dma_start3A_423 = arith.constant 0 : i32
      %dma_start3A_424 = tpu.memref_slice %arg7[%add3A_418, %dma_start3A_423] : memref<512x64xf32, #tpu.memory_space<vmem>> -> memref<1x64xf32, #tpu.memory_space<vmem>>
      %dma_start3A_425 = arith.constant 0 : i32
      %dma_start3A_426 = tpu.memref_slice %arg2[%squeeze3A_414, %dma_start3A_425] : memref<1000000x64xf32, #tpu.memory_space<hbm>> -> memref<1x64xf32, #tpu.memory_space<hbm>>
      tpu.enqueue_dma source(%dma_start3A_426 : memref<1x64xf32, #tpu.memory_space<hbm>>) target(%dma_start3A_424 : memref<1x64xf32, #tpu.memory_space<vmem>>) target_semaphore(%arg9 : memref<!tpu.dma_semaphore, #tpu.memory_space<semaphore_mem>>)
      %slice3A_427 = vector.extract_strided_slice %get3A_244 {offsets = [13], sizes = [1], strides = [1]} : vector<16xi32> to vector<1xi32>
      %squeeze3A_428 = vector.extract %slice3A_427[0] : i32 from vector<1xi32>
      %add3A_429 = arith.constant 16 : i32
      %add3A_430 = arith.addi %mul3A_14, %add3A_429 : i32
      %add3A_431 = arith.constant 13 : i32
      %add3A_432 = arith.addi %add3A_430, %add3A_431 : i32
      %dma_start3A_433 = arith.constant 0 : i32
      %dma_start3A_434 = tpu.memref_slice %arg7[%add3A_432, %dma_start3A_433] : memref<512x64xf32, #tpu.memory_space<vmem>> -> memref<1x64xf32, #tpu.memory_space<vmem>>
      %dma_start3A_435 = arith.constant 0 : i32
      %dma_start3A_436 = tpu.memref_slice %arg2[%squeeze3A_428, %dma_start3A_435] : memref<1000000x64xf32, #tpu.memory_space<hbm>> -> memref<1x64xf32, #tpu.memory_space<hbm>>
      %dma_start3A_437 = arith.constant 0 : i32
      %dma_start3A_438 = tpu.memref_slice %arg7[%add3A_432, %dma_start3A_437] : memref<512x64xf32, #tpu.memory_space<vmem>> -> memref<1x64xf32, #tpu.memory_space<vmem>>
      %dma_start3A_439 = arith.constant 0 : i32
      %dma_start3A_440 = tpu.memref_slice %arg2[%squeeze3A_428, %dma_start3A_439] : memref<1000000x64xf32, #tpu.memory_space<hbm>> -> memref<1x64xf32, #tpu.memory_space<hbm>>
      tpu.enqueue_dma source(%dma_start3A_440 : memref<1x64xf32, #tpu.memory_space<hbm>>) target(%dma_start3A_438 : memref<1x64xf32, #tpu.memory_space<vmem>>) target_semaphore(%arg9 : memref<!tpu.dma_semaphore, #tpu.memory_space<semaphore_mem>>)
      %slice3A_441 = vector.extract_strided_slice %get3A_244 {offsets = [14], sizes = [1], strides = [1]} : vector<16xi32> to vector<1xi32>
      %squeeze3A_442 = vector.extract %slice3A_441[0] : i32 from vector<1xi32>
      %add3A_443 = arith.constant 16 : i32
      %add3A_444 = arith.addi %mul3A_14, %add3A_443 : i32
      %add3A_445 = arith.constant 14 : i32
      %add3A_446 = arith.addi %add3A_444, %add3A_445 : i32
      %dma_start3A_447 = arith.constant 0 : i32
      %dma_start3A_448 = tpu.memref_slice %arg7[%add3A_446, %dma_start3A_447] : memref<512x64xf32, #tpu.memory_space<vmem>> -> memref<1x64xf32, #tpu.memory_space<vmem>>
      %dma_start3A_449 = arith.constant 0 : i32
      %dma_start3A_450 = tpu.memref_slice %arg2[%squeeze3A_442, %dma_start3A_449] : memref<1000000x64xf32, #tpu.memory_space<hbm>> -> memref<1x64xf32, #tpu.memory_space<hbm>>
      %dma_start3A_451 = arith.constant 0 : i32
      %dma_start3A_452 = tpu.memref_slice %arg7[%add3A_446, %dma_start3A_451] : memref<512x64xf32, #tpu.memory_space<vmem>> -> memref<1x64xf32, #tpu.memory_space<vmem>>
      %dma_start3A_453 = arith.constant 0 : i32
      %dma_start3A_454 = tpu.memref_slice %arg2[%squeeze3A_442, %dma_start3A_453] : memref<1000000x64xf32, #tpu.memory_space<hbm>> -> memref<1x64xf32, #tpu.memory_space<hbm>>
      tpu.enqueue_dma source(%dma_start3A_454 : memref<1x64xf32, #tpu.memory_space<hbm>>) target(%dma_start3A_452 : memref<1x64xf32, #tpu.memory_space<vmem>>) target_semaphore(%arg9 : memref<!tpu.dma_semaphore, #tpu.memory_space<semaphore_mem>>)
      %slice3A_455 = vector.extract_strided_slice %get3A_244 {offsets = [15], sizes = [1], strides = [1]} : vector<16xi32> to vector<1xi32>
      %squeeze3A_456 = vector.extract %slice3A_455[0] : i32 from vector<1xi32>
      %add3A_457 = arith.constant 16 : i32
      %add3A_458 = arith.addi %mul3A_14, %add3A_457 : i32
      %add3A_459 = arith.constant 15 : i32
      %add3A_460 = arith.addi %add3A_458, %add3A_459 : i32
      %dma_start3A_461 = arith.constant 0 : i32
      %dma_start3A_462 = tpu.memref_slice %arg7[%add3A_460, %dma_start3A_461] : memref<512x64xf32, #tpu.memory_space<vmem>> -> memref<1x64xf32, #tpu.memory_space<vmem>>
      %dma_start3A_463 = arith.constant 0 : i32
      %dma_start3A_464 = tpu.memref_slice %arg2[%squeeze3A_456, %dma_start3A_463] : memref<1000000x64xf32, #tpu.memory_space<hbm>> -> memref<1x64xf32, #tpu.memory_space<hbm>>
      %dma_start3A_465 = arith.constant 0 : i32
      %dma_start3A_466 = tpu.memref_slice %arg7[%add3A_460, %dma_start3A_465] : memref<512x64xf32, #tpu.memory_space<vmem>> -> memref<1x64xf32, #tpu.memory_space<vmem>>
      %dma_start3A_467 = arith.constant 0 : i32
      %dma_start3A_468 = tpu.memref_slice %arg2[%squeeze3A_456, %dma_start3A_467] : memref<1000000x64xf32, #tpu.memory_space<hbm>> -> memref<1x64xf32, #tpu.memory_space<hbm>>
      tpu.enqueue_dma source(%dma_start3A_468 : memref<1x64xf32, #tpu.memory_space<hbm>>) target(%dma_start3A_466 : memref<1x64xf32, #tpu.memory_space<vmem>>) target_semaphore(%arg9 : memref<!tpu.dma_semaphore, #tpu.memory_space<semaphore_mem>>)
      %dma_wait3A = arith.constant 0 : i32
      %dma_wait3A_469 = tpu.memref_slice %arg7[%add3A_22, %dma_wait3A] : memref<512x64xf32, #tpu.memory_space<vmem>> -> memref<1x64xf32, #tpu.memory_space<vmem>>
      %dma_wait3A_470 = arith.constant 0 : i32
      %dma_wait3A_471 = tpu.memref_slice %arg2[%squeeze3A, %dma_wait3A_470] : memref<1000000x64xf32, #tpu.memory_space<hbm>> -> memref<1x64xf32, #tpu.memory_space<hbm>>
      %dma_wait3A_472 = arith.constant 0 : i32
      %dma_wait3A_473 = tpu.memref_slice %arg7[%add3A_22, %dma_wait3A_472] : memref<512x64xf32, #tpu.memory_space<vmem>> -> memref<1x64xf32, #tpu.memory_space<vmem>>
      %dma_wait3A_474 = arith.constant 0 : i32
      %dma_wait3A_475 = tpu.memref_slice %arg2[%squeeze3A, %dma_wait3A_474] : memref<1000000x64xf32, #tpu.memory_space<hbm>> -> memref<1x64xf32, #tpu.memory_space<hbm>>
      tpu.wait_dma2 semaphore(%arg9 : memref<!tpu.dma_semaphore, #tpu.memory_space<semaphore_mem>>) src(%dma_wait3A_475 : memref<1x64xf32, #tpu.memory_space<hbm>>) dst(%dma_wait3A_473 : memref<1x64xf32, #tpu.memory_space<vmem>>)
      %dma_wait3A_476 = arith.constant 0 : i32
      %dma_wait3A_477 = tpu.memref_slice %arg7[%add3A_35, %dma_wait3A_476] : memref<512x64xf32, #tpu.memory_space<vmem>> -> memref<1x64xf32, #tpu.memory_space<vmem>>
      %dma_wait3A_478 = arith.constant 0 : i32
      %dma_wait3A_479 = tpu.memref_slice %arg2[%squeeze3A_31, %dma_wait3A_478] : memref<1000000x64xf32, #tpu.memory_space<hbm>> -> memref<1x64xf32, #tpu.memory_space<hbm>>
      %dma_wait3A_480 = arith.constant 0 : i32
      %dma_wait3A_481 = tpu.memref_slice %arg7[%add3A_35, %dma_wait3A_480] : memref<512x64xf32, #tpu.memory_space<vmem>> -> memref<1x64xf32, #tpu.memory_space<vmem>>
      %dma_wait3A_482 = arith.constant 0 : i32
      %dma_wait3A_483 = tpu.memref_slice %arg2[%squeeze3A_31, %dma_wait3A_482] : memref<1000000x64xf32, #tpu.memory_space<hbm>> -> memref<1x64xf32, #tpu.memory_space<hbm>>
      tpu.wait_dma2 semaphore(%arg9 : memref<!tpu.dma_semaphore, #tpu.memory_space<semaphore_mem>>) src(%dma_wait3A_483 : memref<1x64xf32, #tpu.memory_space<hbm>>) dst(%dma_wait3A_481 : memref<1x64xf32, #tpu.memory_space<vmem>>)
      %dma_wait3A_484 = arith.constant 0 : i32
      %dma_wait3A_485 = tpu.memref_slice %arg7[%add3A_49, %dma_wait3A_484] : memref<512x64xf32, #tpu.memory_space<vmem>> -> memref<1x64xf32, #tpu.memory_space<vmem>>
      %dma_wait3A_486 = arith.constant 0 : i32
      %dma_wait3A_487 = tpu.memref_slice %arg2[%squeeze3A_45, %dma_wait3A_486] : memref<1000000x64xf32, #tpu.memory_space<hbm>> -> memref<1x64xf32, #tpu.memory_space<hbm>>
      %dma_wait3A_488 = arith.constant 0 : i32
      %dma_wait3A_489 = tpu.memref_slice %arg7[%add3A_49, %dma_wait3A_488] : memref<512x64xf32, #tpu.memory_space<vmem>> -> memref<1x64xf32, #tpu.memory_space<vmem>>
      %dma_wait3A_490 = arith.constant 0 : i32
      %dma_wait3A_491 = tpu.memref_slice %arg2[%squeeze3A_45, %dma_wait3A_490] : memref<1000000x64xf32, #tpu.memory_space<hbm>> -> memref<1x64xf32, #tpu.memory_space<hbm>>
      tpu.wait_dma2 semaphore(%arg9 : memref<!tpu.dma_semaphore, #tpu.memory_space<semaphore_mem>>) src(%dma_wait3A_491 : memref<1x64xf32, #tpu.memory_space<hbm>>) dst(%dma_wait3A_489 : memref<1x64xf32, #tpu.memory_space<vmem>>)
      %dma_wait3A_492 = arith.constant 0 : i32
      %dma_wait3A_493 = tpu.memref_slice %arg7[%add3A_63, %dma_wait3A_492] : memref<512x64xf32, #tpu.memory_space<vmem>> -> memref<1x64xf32, #tpu.memory_space<vmem>>
      %dma_wait3A_494 = arith.constant 0 : i32
      %dma_wait3A_495 = tpu.memref_slice %arg2[%squeeze3A_59, %dma_wait3A_494] : memref<1000000x64xf32, #tpu.memory_space<hbm>> -> memref<1x64xf32, #tpu.memory_space<hbm>>
      %dma_wait3A_496 = arith.constant 0 : i32
      %dma_wait3A_497 = tpu.memref_slice %arg7[%add3A_63, %dma_wait3A_496] : memref<512x64xf32, #tpu.memory_space<vmem>> -> memref<1x64xf32, #tpu.memory_space<vmem>>
      %dma_wait3A_498 = arith.constant 0 : i32
      %dma_wait3A_499 = tpu.memref_slice %arg2[%squeeze3A_59, %dma_wait3A_498] : memref<1000000x64xf32, #tpu.memory_space<hbm>> -> memref<1x64xf32, #tpu.memory_space<hbm>>
      tpu.wait_dma2 semaphore(%arg9 : memref<!tpu.dma_semaphore, #tpu.memory_space<semaphore_mem>>) src(%dma_wait3A_499 : memref<1x64xf32, #tpu.memory_space<hbm>>) dst(%dma_wait3A_497 : memref<1x64xf32, #tpu.memory_space<vmem>>)
      %dma_wait3A_500 = arith.constant 0 : i32
      %dma_wait3A_501 = tpu.memref_slice %arg7[%add3A_77, %dma_wait3A_500] : memref<512x64xf32, #tpu.memory_space<vmem>> -> memref<1x64xf32, #tpu.memory_space<vmem>>
      %dma_wait3A_502 = arith.constant 0 : i32
      %dma_wait3A_503 = tpu.memref_slice %arg2[%squeeze3A_73, %dma_wait3A_502] : memref<1000000x64xf32, #tpu.memory_space<hbm>> -> memref<1x64xf32, #tpu.memory_space<hbm>>
      %dma_wait3A_504 = arith.constant 0 : i32
      %dma_wait3A_505 = tpu.memref_slice %arg7[%add3A_77, %dma_wait3A_504] : memref<512x64xf32, #tpu.memory_space<vmem>> -> memref<1x64xf32, #tpu.memory_space<vmem>>
      %dma_wait3A_506 = arith.constant 0 : i32
      %dma_wait3A_507 = tpu.memref_slice %arg2[%squeeze3A_73, %dma_wait3A_506] : memref<1000000x64xf32, #tpu.memory_space<hbm>> -> memref<1x64xf32, #tpu.memory_space<hbm>>
      tpu.wait_dma2 semaphore(%arg9 : memref<!tpu.dma_semaphore, #tpu.memory_space<semaphore_mem>>) src(%dma_wait3A_507 : memref<1x64xf32, #tpu.memory_space<hbm>>) dst(%dma_wait3A_505 : memref<1x64xf32, #tpu.memory_space<vmem>>)
      %dma_wait3A_508 = arith.constant 0 : i32
      %dma_wait3A_509 = tpu.memref_slice %arg7[%add3A_91, %dma_wait3A_508] : memref<512x64xf32, #tpu.memory_space<vmem>> -> memref<1x64xf32, #tpu.memory_space<vmem>>
      %dma_wait3A_510 = arith.constant 0 : i32
      %dma_wait3A_511 = tpu.memref_slice %arg2[%squeeze3A_87, %dma_wait3A_510] : memref<1000000x64xf32, #tpu.memory_space<hbm>> -> memref<1x64xf32, #tpu.memory_space<hbm>>
      %dma_wait3A_512 = arith.constant 0 : i32
      %dma_wait3A_513 = tpu.memref_slice %arg7[%add3A_91, %dma_wait3A_512] : memref<512x64xf32, #tpu.memory_space<vmem>> -> memref<1x64xf32, #tpu.memory_space<vmem>>
      %dma_wait3A_514 = arith.constant 0 : i32
      %dma_wait3A_515 = tpu.memref_slice %arg2[%squeeze3A_87, %dma_wait3A_514] : memref<1000000x64xf32, #tpu.memory_space<hbm>> -> memref<1x64xf32, #tpu.memory_space<hbm>>
      tpu.wait_dma2 semaphore(%arg9 : memref<!tpu.dma_semaphore, #tpu.memory_space<semaphore_mem>>) src(%dma_wait3A_515 : memref<1x64xf32, #tpu.memory_space<hbm>>) dst(%dma_wait3A_513 : memref<1x64xf32, #tpu.memory_space<vmem>>)
      %dma_wait3A_516 = arith.constant 0 : i32
      %dma_wait3A_517 = tpu.memref_slice %arg7[%add3A_105, %dma_wait3A_516] : memref<512x64xf32, #tpu.memory_space<vmem>> -> memref<1x64xf32, #tpu.memory_space<vmem>>
      %dma_wait3A_518 = arith.constant 0 : i32
      %dma_wait3A_519 = tpu.memref_slice %arg2[%squeeze3A_101, %dma_wait3A_518] : memref<1000000x64xf32, #tpu.memory_space<hbm>> -> memref<1x64xf32, #tpu.memory_space<hbm>>
      %dma_wait3A_520 = arith.constant 0 : i32
      %dma_wait3A_521 = tpu.memref_slice %arg7[%add3A_105, %dma_wait3A_520] : memref<512x64xf32, #tpu.memory_space<vmem>> -> memref<1x64xf32, #tpu.memory_space<vmem>>
      %dma_wait3A_522 = arith.constant 0 : i32
      %dma_wait3A_523 = tpu.memref_slice %arg2[%squeeze3A_101, %dma_wait3A_522] : memref<1000000x64xf32, #tpu.memory_space<hbm>> -> memref<1x64xf32, #tpu.memory_space<hbm>>
      tpu.wait_dma2 semaphore(%arg9 : memref<!tpu.dma_semaphore, #tpu.memory_space<semaphore_mem>>) src(%dma_wait3A_523 : memref<1x64xf32, #tpu.memory_space<hbm>>) dst(%dma_wait3A_521 : memref<1x64xf32, #tpu.memory_space<vmem>>)
      %dma_wait3A_524 = arith.constant 0 : i32
      %dma_wait3A_525 = tpu.memref_slice %arg7[%add3A_119, %dma_wait3A_524] : memref<512x64xf32, #tpu.memory_space<vmem>> -> memref<1x64xf32, #tpu.memory_space<vmem>>
      %dma_wait3A_526 = arith.constant 0 : i32
      %dma_wait3A_527 = tpu.memref_slice %arg2[%squeeze3A_115, %dma_wait3A_526] : memref<1000000x64xf32, #tpu.memory_space<hbm>> -> memref<1x64xf32, #tpu.memory_space<hbm>>
      %dma_wait3A_528 = arith.constant 0 : i32
      %dma_wait3A_529 = tpu.memref_slice %arg7[%add3A_119, %dma_wait3A_528] : memref<512x64xf32, #tpu.memory_space<vmem>> -> memref<1x64xf32, #tpu.memory_space<vmem>>
      %dma_wait3A_530 = arith.constant 0 : i32
      %dma_wait3A_531 = tpu.memref_slice %arg2[%squeeze3A_115, %dma_wait3A_530] : memref<1000000x64xf32, #tpu.memory_space<hbm>> -> memref<1x64xf32, #tpu.memory_space<hbm>>
      tpu.wait_dma2 semaphore(%arg9 : memref<!tpu.dma_semaphore, #tpu.memory_space<semaphore_mem>>) src(%dma_wait3A_531 : memref<1x64xf32, #tpu.memory_space<hbm>>) dst(%dma_wait3A_529 : memref<1x64xf32, #tpu.memory_space<vmem>>)
      %dma_wait3A_532 = arith.constant 0 : i32
      %dma_wait3A_533 = tpu.memref_slice %arg7[%add3A_133, %dma_wait3A_532] : memref<512x64xf32, #tpu.memory_space<vmem>> -> memref<1x64xf32, #tpu.memory_space<vmem>>
      %dma_wait3A_534 = arith.constant 0 : i32
      %dma_wait3A_535 = tpu.memref_slice %arg2[%squeeze3A_129, %dma_wait3A_534] : memref<1000000x64xf32, #tpu.memory_space<hbm>> -> memref<1x64xf32, #tpu.memory_space<hbm>>
      %dma_wait3A_536 = arith.constant 0 : i32
      %dma_wait3A_537 = tpu.memref_slice %arg7[%add3A_133, %dma_wait3A_536] : memref<512x64xf32, #tpu.memory_space<vmem>> -> memref<1x64xf32, #tpu.memory_space<vmem>>
      %dma_wait3A_538 = arith.constant 0 : i32
      %dma_wait3A_539 = tpu.memref_slice %arg2[%squeeze3A_129, %dma_wait3A_538] : memref<1000000x64xf32, #tpu.memory_space<hbm>> -> memref<1x64xf32, #tpu.memory_space<hbm>>
      tpu.wait_dma2 semaphore(%arg9 : memref<!tpu.dma_semaphore, #tpu.memory_space<semaphore_mem>>) src(%dma_wait3A_539 : memref<1x64xf32, #tpu.memory_space<hbm>>) dst(%dma_wait3A_537 : memref<1x64xf32, #tpu.memory_space<vmem>>)
      %dma_wait3A_540 = arith.constant 0 : i32
      %dma_wait3A_541 = tpu.memref_slice %arg7[%add3A_147, %dma_wait3A_540] : memref<512x64xf32, #tpu.memory_space<vmem>> -> memref<1x64xf32, #tpu.memory_space<vmem>>
      %dma_wait3A_542 = arith.constant 0 : i32
      %dma_wait3A_543 = tpu.memref_slice %arg2[%squeeze3A_143, %dma_wait3A_542] : memref<1000000x64xf32, #tpu.memory_space<hbm>> -> memref<1x64xf32, #tpu.memory_space<hbm>>
      %dma_wait3A_544 = arith.constant 0 : i32
      %dma_wait3A_545 = tpu.memref_slice %arg7[%add3A_147, %dma_wait3A_544] : memref<512x64xf32, #tpu.memory_space<vmem>> -> memref<1x64xf32, #tpu.memory_space<vmem>>
      %dma_wait3A_546 = arith.constant 0 : i32
      %dma_wait3A_547 = tpu.memref_slice %arg2[%squeeze3A_143, %dma_wait3A_546] : memref<1000000x64xf32, #tpu.memory_space<hbm>> -> memref<1x64xf32, #tpu.memory_space<hbm>>
      tpu.wait_dma2 semaphore(%arg9 : memref<!tpu.dma_semaphore, #tpu.memory_space<semaphore_mem>>) src(%dma_wait3A_547 : memref<1x64xf32, #tpu.memory_space<hbm>>) dst(%dma_wait3A_545 : memref<1x64xf32, #tpu.memory_space<vmem>>)
      %dma_wait3A_548 = arith.constant 0 : i32
      %dma_wait3A_549 = tpu.memref_slice %arg7[%add3A_161, %dma_wait3A_548] : memref<512x64xf32, #tpu.memory_space<vmem>> -> memref<1x64xf32, #tpu.memory_space<vmem>>
      %dma_wait3A_550 = arith.constant 0 : i32
      %dma_wait3A_551 = tpu.memref_slice %arg2[%squeeze3A_157, %dma_wait3A_550] : memref<1000000x64xf32, #tpu.memory_space<hbm>> -> memref<1x64xf32, #tpu.memory_space<hbm>>
      %dma_wait3A_552 = arith.constant 0 : i32
      %dma_wait3A_553 = tpu.memref_slice %arg7[%add3A_161, %dma_wait3A_552] : memref<512x64xf32, #tpu.memory_space<vmem>> -> memref<1x64xf32, #tpu.memory_space<vmem>>
      %dma_wait3A_554 = arith.constant 0 : i32
      %dma_wait3A_555 = tpu.memref_slice %arg2[%squeeze3A_157, %dma_wait3A_554] : memref<1000000x64xf32, #tpu.memory_space<hbm>> -> memref<1x64xf32, #tpu.memory_space<hbm>>
      tpu.wait_dma2 semaphore(%arg9 : memref<!tpu.dma_semaphore, #tpu.memory_space<semaphore_mem>>) src(%dma_wait3A_555 : memref<1x64xf32, #tpu.memory_space<hbm>>) dst(%dma_wait3A_553 : memref<1x64xf32, #tpu.memory_space<vmem>>)
      %dma_wait3A_556 = arith.constant 0 : i32
      %dma_wait3A_557 = tpu.memref_slice %arg7[%add3A_175, %dma_wait3A_556] : memref<512x64xf32, #tpu.memory_space<vmem>> -> memref<1x64xf32, #tpu.memory_space<vmem>>
      %dma_wait3A_558 = arith.constant 0 : i32
      %dma_wait3A_559 = tpu.memref_slice %arg2[%squeeze3A_171, %dma_wait3A_558] : memref<1000000x64xf32, #tpu.memory_space<hbm>> -> memref<1x64xf32, #tpu.memory_space<hbm>>
      %dma_wait3A_560 = arith.constant 0 : i32
      %dma_wait3A_561 = tpu.memref_slice %arg7[%add3A_175, %dma_wait3A_560] : memref<512x64xf32, #tpu.memory_space<vmem>> -> memref<1x64xf32, #tpu.memory_space<vmem>>
      %dma_wait3A_562 = arith.constant 0 : i32
      %dma_wait3A_563 = tpu.memref_slice %arg2[%squeeze3A_171, %dma_wait3A_562] : memref<1000000x64xf32, #tpu.memory_space<hbm>> -> memref<1x64xf32, #tpu.memory_space<hbm>>
      tpu.wait_dma2 semaphore(%arg9 : memref<!tpu.dma_semaphore, #tpu.memory_space<semaphore_mem>>) src(%dma_wait3A_563 : memref<1x64xf32, #tpu.memory_space<hbm>>) dst(%dma_wait3A_561 : memref<1x64xf32, #tpu.memory_space<vmem>>)
      %dma_wait3A_564 = arith.constant 0 : i32
      %dma_wait3A_565 = tpu.memref_slice %arg7[%add3A_189, %dma_wait3A_564] : memref<512x64xf32, #tpu.memory_space<vmem>> -> memref<1x64xf32, #tpu.memory_space<vmem>>
      %dma_wait3A_566 = arith.constant 0 : i32
      %dma_wait3A_567 = tpu.memref_slice %arg2[%squeeze3A_185, %dma_wait3A_566] : memref<1000000x64xf32, #tpu.memory_space<hbm>> -> memref<1x64xf32, #tpu.memory_space<hbm>>
      %dma_wait3A_568 = arith.constant 0 : i32
      %dma_wait3A_569 = tpu.memref_slice %arg7[%add3A_189, %dma_wait3A_568] : memref<512x64xf32, #tpu.memory_space<vmem>> -> memref<1x64xf32, #tpu.memory_space<vmem>>
      %dma_wait3A_570 = arith.constant 0 : i32
      %dma_wait3A_571 = tpu.memref_slice %arg2[%squeeze3A_185, %dma_wait3A_570] : memref<1000000x64xf32, #tpu.memory_space<hbm>> -> memref<1x64xf32, #tpu.memory_space<hbm>>
      tpu.wait_dma2 semaphore(%arg9 : memref<!tpu.dma_semaphore, #tpu.memory_space<semaphore_mem>>) src(%dma_wait3A_571 : memref<1x64xf32, #tpu.memory_space<hbm>>) dst(%dma_wait3A_569 : memref<1x64xf32, #tpu.memory_space<vmem>>)
      %dma_wait3A_572 = arith.constant 0 : i32
      %dma_wait3A_573 = tpu.memref_slice %arg7[%add3A_203, %dma_wait3A_572] : memref<512x64xf32, #tpu.memory_space<vmem>> -> memref<1x64xf32, #tpu.memory_space<vmem>>
      %dma_wait3A_574 = arith.constant 0 : i32
      %dma_wait3A_575 = tpu.memref_slice %arg2[%squeeze3A_199, %dma_wait3A_574] : memref<1000000x64xf32, #tpu.memory_space<hbm>> -> memref<1x64xf32, #tpu.memory_space<hbm>>
      %dma_wait3A_576 = arith.constant 0 : i32
      %dma_wait3A_577 = tpu.memref_slice %arg7[%add3A_203, %dma_wait3A_576] : memref<512x64xf32, #tpu.memory_space<vmem>> -> memref<1x64xf32, #tpu.memory_space<vmem>>
      %dma_wait3A_578 = arith.constant 0 : i32
      %dma_wait3A_579 = tpu.memref_slice %arg2[%squeeze3A_199, %dma_wait3A_578] : memref<1000000x64xf32, #tpu.memory_space<hbm>> -> memref<1x64xf32, #tpu.memory_space<hbm>>
      tpu.wait_dma2 semaphore(%arg9 : memref<!tpu.dma_semaphore, #tpu.memory_space<semaphore_mem>>) src(%dma_wait3A_579 : memref<1x64xf32, #tpu.memory_space<hbm>>) dst(%dma_wait3A_577 : memref<1x64xf32, #tpu.memory_space<vmem>>)
      %dma_wait3A_580 = arith.constant 0 : i32
      %dma_wait3A_581 = tpu.memref_slice %arg7[%add3A_217, %dma_wait3A_580] : memref<512x64xf32, #tpu.memory_space<vmem>> -> memref<1x64xf32, #tpu.memory_space<vmem>>
      %dma_wait3A_582 = arith.constant 0 : i32
      %dma_wait3A_583 = tpu.memref_slice %arg2[%squeeze3A_213, %dma_wait3A_582] : memref<1000000x64xf32, #tpu.memory_space<hbm>> -> memref<1x64xf32, #tpu.memory_space<hbm>>
      %dma_wait3A_584 = arith.constant 0 : i32
      %dma_wait3A_585 = tpu.memref_slice %arg7[%add3A_217, %dma_wait3A_584] : memref<512x64xf32, #tpu.memory_space<vmem>> -> memref<1x64xf32, #tpu.memory_space<vmem>>
      %dma_wait3A_586 = arith.constant 0 : i32
      %dma_wait3A_587 = tpu.memref_slice %arg2[%squeeze3A_213, %dma_wait3A_586] : memref<1000000x64xf32, #tpu.memory_space<hbm>> -> memref<1x64xf32, #tpu.memory_space<hbm>>
      tpu.wait_dma2 semaphore(%arg9 : memref<!tpu.dma_semaphore, #tpu.memory_space<semaphore_mem>>) src(%dma_wait3A_587 : memref<1x64xf32, #tpu.memory_space<hbm>>) dst(%dma_wait3A_585 : memref<1x64xf32, #tpu.memory_space<vmem>>)
      %dma_wait3A_588 = arith.constant 0 : i32
      %dma_wait3A_589 = tpu.memref_slice %arg7[%add3A_231, %dma_wait3A_588] : memref<512x64xf32, #tpu.memory_space<vmem>> -> memref<1x64xf32, #tpu.memory_space<vmem>>
      %dma_wait3A_590 = arith.constant 0 : i32
      %dma_wait3A_591 = tpu.memref_slice %arg2[%squeeze3A_227, %dma_wait3A_590] : memref<1000000x64xf32, #tpu.memory_space<hbm>> -> memref<1x64xf32, #tpu.memory_space<hbm>>
      %dma_wait3A_592 = arith.constant 0 : i32
      %dma_wait3A_593 = tpu.memref_slice %arg7[%add3A_231, %dma_wait3A_592] : memref<512x64xf32, #tpu.memory_space<vmem>> -> memref<1x64xf32, #tpu.memory_space<vmem>>
      %dma_wait3A_594 = arith.constant 0 : i32
      %dma_wait3A_595 = tpu.memref_slice %arg2[%squeeze3A_227, %dma_wait3A_594] : memref<1000000x64xf32, #tpu.memory_space<hbm>> -> memref<1x64xf32, #tpu.memory_space<hbm>>
      tpu.wait_dma2 semaphore(%arg9 : memref<!tpu.dma_semaphore, #tpu.memory_space<semaphore_mem>>) src(%dma_wait3A_595 : memref<1x64xf32, #tpu.memory_space<hbm>>) dst(%dma_wait3A_593 : memref<1x64xf32, #tpu.memory_space<vmem>>)
      %dma_wait3A_596 = arith.constant 0 : i32
      %dma_wait3A_597 = tpu.memref_slice %arg7[%add3A_250, %dma_wait3A_596] : memref<512x64xf32, #tpu.memory_space<vmem>> -> memref<1x64xf32, #tpu.memory_space<vmem>>
      %dma_wait3A_598 = arith.constant 0 : i32
      %dma_wait3A_599 = tpu.memref_slice %arg2[%squeeze3A_246, %dma_wait3A_598] : memref<1000000x64xf32, #tpu.memory_space<hbm>> -> memref<1x64xf32, #tpu.memory_space<hbm>>
      %dma_wait3A_600 = arith.constant 0 : i32
      %dma_wait3A_601 = tpu.memref_slice %arg7[%add3A_250, %dma_wait3A_600] : memref<512x64xf32, #tpu.memory_space<vmem>> -> memref<1x64xf32, #tpu.memory_space<vmem>>
      %dma_wait3A_602 = arith.constant 0 : i32
      %dma_wait3A_603 = tpu.memref_slice %arg2[%squeeze3A_246, %dma_wait3A_602] : memref<1000000x64xf32, #tpu.memory_space<hbm>> -> memref<1x64xf32, #tpu.memory_space<hbm>>
      tpu.wait_dma2 semaphore(%arg9 : memref<!tpu.dma_semaphore, #tpu.memory_space<semaphore_mem>>) src(%dma_wait3A_603 : memref<1x64xf32, #tpu.memory_space<hbm>>) dst(%dma_wait3A_601 : memref<1x64xf32, #tpu.memory_space<vmem>>)
      %dma_wait3A_604 = arith.constant 0 : i32
      %dma_wait3A_605 = tpu.memref_slice %arg7[%add3A_264, %dma_wait3A_604] : memref<512x64xf32, #tpu.memory_space<vmem>> -> memref<1x64xf32, #tpu.memory_space<vmem>>
      %dma_wait3A_606 = arith.constant 0 : i32
      %dma_wait3A_607 = tpu.memref_slice %arg2[%squeeze3A_260, %dma_wait3A_606] : memref<1000000x64xf32, #tpu.memory_space<hbm>> -> memref<1x64xf32, #tpu.memory_space<hbm>>
      %dma_wait3A_608 = arith.constant 0 : i32
      %dma_wait3A_609 = tpu.memref_slice %arg7[%add3A_264, %dma_wait3A_608] : memref<512x64xf32, #tpu.memory_space<vmem>> -> memref<1x64xf32, #tpu.memory_space<vmem>>
      %dma_wait3A_610 = arith.constant 0 : i32
      %dma_wait3A_611 = tpu.memref_slice %arg2[%squeeze3A_260, %dma_wait3A_610] : memref<1000000x64xf32, #tpu.memory_space<hbm>> -> memref<1x64xf32, #tpu.memory_space<hbm>>
      tpu.wait_dma2 semaphore(%arg9 : memref<!tpu.dma_semaphore, #tpu.memory_space<semaphore_mem>>) src(%dma_wait3A_611 : memref<1x64xf32, #tpu.memory_space<hbm>>) dst(%dma_wait3A_609 : memref<1x64xf32, #tpu.memory_space<vmem>>)
      %dma_wait3A_612 = arith.constant 0 : i32
      %dma_wait3A_613 = tpu.memref_slice %arg7[%add3A_278, %dma_wait3A_612] : memref<512x64xf32, #tpu.memory_space<vmem>> -> memref<1x64xf32, #tpu.memory_space<vmem>>
      %dma_wait3A_614 = arith.constant 0 : i32
      %dma_wait3A_615 = tpu.memref_slice %arg2[%squeeze3A_274, %dma_wait3A_614] : memref<1000000x64xf32, #tpu.memory_space<hbm>> -> memref<1x64xf32, #tpu.memory_space<hbm>>
      %dma_wait3A_616 = arith.constant 0 : i32
      %dma_wait3A_617 = tpu.memref_slice %arg7[%add3A_278, %dma_wait3A_616] : memref<512x64xf32, #tpu.memory_space<vmem>> -> memref<1x64xf32, #tpu.memory_space<vmem>>
      %dma_wait3A_618 = arith.constant 0 : i32
      %dma_wait3A_619 = tpu.memref_slice %arg2[%squeeze3A_274, %dma_wait3A_618] : memref<1000000x64xf32, #tpu.memory_space<hbm>> -> memref<1x64xf32, #tpu.memory_space<hbm>>
      tpu.wait_dma2 semaphore(%arg9 : memref<!tpu.dma_semaphore, #tpu.memory_space<semaphore_mem>>) src(%dma_wait3A_619 : memref<1x64xf32, #tpu.memory_space<hbm>>) dst(%dma_wait3A_617 : memref<1x64xf32, #tpu.memory_space<vmem>>)
      %dma_wait3A_620 = arith.constant 0 : i32
      %dma_wait3A_621 = tpu.memref_slice %arg7[%add3A_292, %dma_wait3A_620] : memref<512x64xf32, #tpu.memory_space<vmem>> -> memref<1x64xf32, #tpu.memory_space<vmem>>
      %dma_wait3A_622 = arith.constant 0 : i32
      %dma_wait3A_623 = tpu.memref_slice %arg2[%squeeze3A_288, %dma_wait3A_622] : memref<1000000x64xf32, #tpu.memory_space<hbm>> -> memref<1x64xf32, #tpu.memory_space<hbm>>
      %dma_wait3A_624 = arith.constant 0 : i32
      %dma_wait3A_625 = tpu.memref_slice %arg7[%add3A_292, %dma_wait3A_624] : memref<512x64xf32, #tpu.memory_space<vmem>> -> memref<1x64xf32, #tpu.memory_space<vmem>>
      %dma_wait3A_626 = arith.constant 0 : i32
      %dma_wait3A_627 = tpu.memref_slice %arg2[%squeeze3A_288, %dma_wait3A_626] : memref<1000000x64xf32, #tpu.memory_space<hbm>> -> memref<1x64xf32, #tpu.memory_space<hbm>>
      tpu.wait_dma2 semaphore(%arg9 : memref<!tpu.dma_semaphore, #tpu.memory_space<semaphore_mem>>) src(%dma_wait3A_627 : memref<1x64xf32, #tpu.memory_space<hbm>>) dst(%dma_wait3A_625 : memref<1x64xf32, #tpu.memory_space<vmem>>)
      %dma_wait3A_628 = arith.constant 0 : i32
      %dma_wait3A_629 = tpu.memref_slice %arg7[%add3A_306, %dma_wait3A_628] : memref<512x64xf32, #tpu.memory_space<vmem>> -> memref<1x64xf32, #tpu.memory_space<vmem>>
      %dma_wait3A_630 = arith.constant 0 : i32
      %dma_wait3A_631 = tpu.memref_slice %arg2[%squeeze3A_302, %dma_wait3A_630] : memref<1000000x64xf32, #tpu.memory_space<hbm>> -> memref<1x64xf32, #tpu.memory_space<hbm>>
      %dma_wait3A_632 = arith.constant 0 : i32
      %dma_wait3A_633 = tpu.memref_slice %arg7[%add3A_306, %dma_wait3A_632] : memref<512x64xf32, #tpu.memory_space<vmem>> -> memref<1x64xf32, #tpu.memory_space<vmem>>
      %dma_wait3A_634 = arith.constant 0 : i32
      %dma_wait3A_635 = tpu.memref_slice %arg2[%squeeze3A_302, %dma_wait3A_634] : memref<1000000x64xf32, #tpu.memory_space<hbm>> -> memref<1x64xf32, #tpu.memory_space<hbm>>
      tpu.wait_dma2 semaphore(%arg9 : memref<!tpu.dma_semaphore, #tpu.memory_space<semaphore_mem>>) src(%dma_wait3A_635 : memref<1x64xf32, #tpu.memory_space<hbm>>) dst(%dma_wait3A_633 : memref<1x64xf32, #tpu.memory_space<vmem>>)
      %dma_wait3A_636 = arith.constant 0 : i32
      %dma_wait3A_637 = tpu.memref_slice %arg7[%add3A_320, %dma_wait3A_636] : memref<512x64xf32, #tpu.memory_space<vmem>> -> memref<1x64xf32, #tpu.memory_space<vmem>>
      %dma_wait3A_638 = arith.constant 0 : i32
      %dma_wait3A_639 = tpu.memref_slice %arg2[%squeeze3A_316, %dma_wait3A_638] : memref<1000000x64xf32, #tpu.memory_space<hbm>> -> memref<1x64xf32, #tpu.memory_space<hbm>>
      %dma_wait3A_640 = arith.constant 0 : i32
      %dma_wait3A_641 = tpu.memref_slice %arg7[%add3A_320, %dma_wait3A_640] : memref<512x64xf32, #tpu.memory_space<vmem>> -> memref<1x64xf32, #tpu.memory_space<vmem>>
      %dma_wait3A_642 = arith.constant 0 : i32
      %dma_wait3A_643 = tpu.memref_slice %arg2[%squeeze3A_316, %dma_wait3A_642] : memref<1000000x64xf32, #tpu.memory_space<hbm>> -> memref<1x64xf32, #tpu.memory_space<hbm>>
      tpu.wait_dma2 semaphore(%arg9 : memref<!tpu.dma_semaphore, #tpu.memory_space<semaphore_mem>>) src(%dma_wait3A_643 : memref<1x64xf32, #tpu.memory_space<hbm>>) dst(%dma_wait3A_641 : memref<1x64xf32, #tpu.memory_space<vmem>>)
      %dma_wait3A_644 = arith.constant 0 : i32
      %dma_wait3A_645 = tpu.memref_slice %arg7[%add3A_334, %dma_wait3A_644] : memref<512x64xf32, #tpu.memory_space<vmem>> -> memref<1x64xf32, #tpu.memory_space<vmem>>
      %dma_wait3A_646 = arith.constant 0 : i32
      %dma_wait3A_647 = tpu.memref_slice %arg2[%squeeze3A_330, %dma_wait3A_646] : memref<1000000x64xf32, #tpu.memory_space<hbm>> -> memref<1x64xf32, #tpu.memory_space<hbm>>
      %dma_wait3A_648 = arith.constant 0 : i32
      %dma_wait3A_649 = tpu.memref_slice %arg7[%add3A_334, %dma_wait3A_648] : memref<512x64xf32, #tpu.memory_space<vmem>> -> memref<1x64xf32, #tpu.memory_space<vmem>>
      %dma_wait3A_650 = arith.constant 0 : i32
      %dma_wait3A_651 = tpu.memref_slice %arg2[%squeeze3A_330, %dma_wait3A_650] : memref<1000000x64xf32, #tpu.memory_space<hbm>> -> memref<1x64xf32, #tpu.memory_space<hbm>>
      tpu.wait_dma2 semaphore(%arg9 : memref<!tpu.dma_semaphore, #tpu.memory_space<semaphore_mem>>) src(%dma_wait3A_651 : memref<1x64xf32, #tpu.memory_space<hbm>>) dst(%dma_wait3A_649 : memref<1x64xf32, #tpu.memory_space<vmem>>)
      %dma_wait3A_652 = arith.constant 0 : i32
      %dma_wait3A_653 = tpu.memref_slice %arg7[%add3A_348, %dma_wait3A_652] : memref<512x64xf32, #tpu.memory_space<vmem>> -> memref<1x64xf32, #tpu.memory_space<vmem>>
      %dma_wait3A_654 = arith.constant 0 : i32
      %dma_wait3A_655 = tpu.memref_slice %arg2[%squeeze3A_344, %dma_wait3A_654] : memref<1000000x64xf32, #tpu.memory_space<hbm>> -> memref<1x64xf32, #tpu.memory_space<hbm>>
      %dma_wait3A_656 = arith.constant 0 : i32
      %dma_wait3A_657 = tpu.memref_slice %arg7[%add3A_348, %dma_wait3A_656] : memref<512x64xf32, #tpu.memory_space<vmem>> -> memref<1x64xf32, #tpu.memory_space<vmem>>
      %dma_wait3A_658 = arith.constant 0 : i32
      %dma_wait3A_659 = tpu.memref_slice %arg2[%squeeze3A_344, %dma_wait3A_658] : memref<1000000x64xf32, #tpu.memory_space<hbm>> -> memref<1x64xf32, #tpu.memory_space<hbm>>
      tpu.wait_dma2 semaphore(%arg9 : memref<!tpu.dma_semaphore, #tpu.memory_space<semaphore_mem>>) src(%dma_wait3A_659 : memref<1x64xf32, #tpu.memory_space<hbm>>) dst(%dma_wait3A_657 : memref<1x64xf32, #tpu.memory_space<vmem>>)
      %dma_wait3A_660 = arith.constant 0 : i32
      %dma_wait3A_661 = tpu.memref_slice %arg7[%add3A_362, %dma_wait3A_660] : memref<512x64xf32, #tpu.memory_space<vmem>> -> memref<1x64xf32, #tpu.memory_space<vmem>>
      %dma_wait3A_662 = arith.constant 0 : i32
      %dma_wait3A_663 = tpu.memref_slice %arg2[%squeeze3A_358, %dma_wait3A_662] : memref<1000000x64xf32, #tpu.memory_space<hbm>> -> memref<1x64xf32, #tpu.memory_space<hbm>>
      %dma_wait3A_664 = arith.constant 0 : i32
      %dma_wait3A_665 = tpu.memref_slice %arg7[%add3A_362, %dma_wait3A_664] : memref<512x64xf32, #tpu.memory_space<vmem>> -> memref<1x64xf32, #tpu.memory_space<vmem>>
      %dma_wait3A_666 = arith.constant 0 : i32
      %dma_wait3A_667 = tpu.memref_slice %arg2[%squeeze3A_358, %dma_wait3A_666] : memref<1000000x64xf32, #tpu.memory_space<hbm>> -> memref<1x64xf32, #tpu.memory_space<hbm>>
      tpu.wait_dma2 semaphore(%arg9 : memref<!tpu.dma_semaphore, #tpu.memory_space<semaphore_mem>>) src(%dma_wait3A_667 : memref<1x64xf32, #tpu.memory_space<hbm>>) dst(%dma_wait3A_665 : memref<1x64xf32, #tpu.memory_space<vmem>>)
      %dma_wait3A_668 = arith.constant 0 : i32
      %dma_wait3A_669 = tpu.memref_slice %arg7[%add3A_376, %dma_wait3A_668] : memref<512x64xf32, #tpu.memory_space<vmem>> -> memref<1x64xf32, #tpu.memory_space<vmem>>
      %dma_wait3A_670 = arith.constant 0 : i32
      %dma_wait3A_671 = tpu.memref_slice %arg2[%squeeze3A_372, %dma_wait3A_670] : memref<1000000x64xf32, #tpu.memory_space<hbm>> -> memref<1x64xf32, #tpu.memory_space<hbm>>
      %dma_wait3A_672 = arith.constant 0 : i32
      %dma_wait3A_673 = tpu.memref_slice %arg7[%add3A_376, %dma_wait3A_672] : memref<512x64xf32, #tpu.memory_space<vmem>> -> memref<1x64xf32, #tpu.memory_space<vmem>>
      %dma_wait3A_674 = arith.constant 0 : i32
      %dma_wait3A_675 = tpu.memref_slice %arg2[%squeeze3A_372, %dma_wait3A_674] : memref<1000000x64xf32, #tpu.memory_space<hbm>> -> memref<1x64xf32, #tpu.memory_space<hbm>>
      tpu.wait_dma2 semaphore(%arg9 : memref<!tpu.dma_semaphore, #tpu.memory_space<semaphore_mem>>) src(%dma_wait3A_675 : memref<1x64xf32, #tpu.memory_space<hbm>>) dst(%dma_wait3A_673 : memref<1x64xf32, #tpu.memory_space<vmem>>)
      %dma_wait3A_676 = arith.constant 0 : i32
      %dma_wait3A_677 = tpu.memref_slice %arg7[%add3A_390, %dma_wait3A_676] : memref<512x64xf32, #tpu.memory_space<vmem>> -> memref<1x64xf32, #tpu.memory_space<vmem>>
      %dma_wait3A_678 = arith.constant 0 : i32
      %dma_wait3A_679 = tpu.memref_slice %arg2[%squeeze3A_386, %dma_wait3A_678] : memref<1000000x64xf32, #tpu.memory_space<hbm>> -> memref<1x64xf32, #tpu.memory_space<hbm>>
      %dma_wait3A_680 = arith.constant 0 : i32
      %dma_wait3A_681 = tpu.memref_slice %arg7[%add3A_390, %dma_wait3A_680] : memref<512x64xf32, #tpu.memory_space<vmem>> -> memref<1x64xf32, #tpu.memory_space<vmem>>
      %dma_wait3A_682 = arith.constant 0 : i32
      %dma_wait3A_683 = tpu.memref_slice %arg2[%squeeze3A_386, %dma_wait3A_682] : memref<1000000x64xf32, #tpu.memory_space<hbm>> -> memref<1x64xf32, #tpu.memory_space<hbm>>
      tpu.wait_dma2 semaphore(%arg9 : memref<!tpu.dma_semaphore, #tpu.memory_space<semaphore_mem>>) src(%dma_wait3A_683 : memref<1x64xf32, #tpu.memory_space<hbm>>) dst(%dma_wait3A_681 : memref<1x64xf32, #tpu.memory_space<vmem>>)
      %dma_wait3A_684 = arith.constant 0 : i32
      %dma_wait3A_685 = tpu.memref_slice %arg7[%add3A_404, %dma_wait3A_684] : memref<512x64xf32, #tpu.memory_space<vmem>> -> memref<1x64xf32, #tpu.memory_space<vmem>>
      %dma_wait3A_686 = arith.constant 0 : i32
      %dma_wait3A_687 = tpu.memref_slice %arg2[%squeeze3A_400, %dma_wait3A_686] : memref<1000000x64xf32, #tpu.memory_space<hbm>> -> memref<1x64xf32, #tpu.memory_space<hbm>>
      %dma_wait3A_688 = arith.constant 0 : i32
      %dma_wait3A_689 = tpu.memref_slice %arg7[%add3A_404, %dma_wait3A_688] : memref<512x64xf32, #tpu.memory_space<vmem>> -> memref<1x64xf32, #tpu.memory_space<vmem>>
      %dma_wait3A_690 = arith.constant 0 : i32
      %dma_wait3A_691 = tpu.memref_slice %arg2[%squeeze3A_400, %dma_wait3A_690] : memref<1000000x64xf32, #tpu.memory_space<hbm>> -> memref<1x64xf32, #tpu.memory_space<hbm>>
      tpu.wait_dma2 semaphore(%arg9 : memref<!tpu.dma_semaphore, #tpu.memory_space<semaphore_mem>>) src(%dma_wait3A_691 : memref<1x64xf32, #tpu.memory_space<hbm>>) dst(%dma_wait3A_689 : memref<1x64xf32, #tpu.memory_space<vmem>>)
      %dma_wait3A_692 = arith.constant 0 : i32
      %dma_wait3A_693 = tpu.memref_slice %arg7[%add3A_418, %dma_wait3A_692] : memref<512x64xf32, #tpu.memory_space<vmem>> -> memref<1x64xf32, #tpu.memory_space<vmem>>
      %dma_wait3A_694 = arith.constant 0 : i32
      %dma_wait3A_695 = tpu.memref_slice %arg2[%squeeze3A_414, %dma_wait3A_694] : memref<1000000x64xf32, #tpu.memory_space<hbm>> -> memref<1x64xf32, #tpu.memory_space<hbm>>
      %dma_wait3A_696 = arith.constant 0 : i32
      %dma_wait3A_697 = tpu.memref_slice %arg7[%add3A_418, %dma_wait3A_696] : memref<512x64xf32, #tpu.memory_space<vmem>> -> memref<1x64xf32, #tpu.memory_space<vmem>>
      %dma_wait3A_698 = arith.constant 0 : i32
      %dma_wait3A_699 = tpu.memref_slice %arg2[%squeeze3A_414, %dma_wait3A_698] : memref<1000000x64xf32, #tpu.memory_space<hbm>> -> memref<1x64xf32, #tpu.memory_space<hbm>>
      tpu.wait_dma2 semaphore(%arg9 : memref<!tpu.dma_semaphore, #tpu.memory_space<semaphore_mem>>) src(%dma_wait3A_699 : memref<1x64xf32, #tpu.memory_space<hbm>>) dst(%dma_wait3A_697 : memref<1x64xf32, #tpu.memory_space<vmem>>)
      %dma_wait3A_700 = arith.constant 0 : i32
      %dma_wait3A_701 = tpu.memref_slice %arg7[%add3A_432, %dma_wait3A_700] : memref<512x64xf32, #tpu.memory_space<vmem>> -> memref<1x64xf32, #tpu.memory_space<vmem>>
      %dma_wait3A_702 = arith.constant 0 : i32
      %dma_wait3A_703 = tpu.memref_slice %arg2[%squeeze3A_428, %dma_wait3A_702] : memref<1000000x64xf32, #tpu.memory_space<hbm>> -> memref<1x64xf32, #tpu.memory_space<hbm>>
      %dma_wait3A_704 = arith.constant 0 : i32
      %dma_wait3A_705 = tpu.memref_slice %arg7[%add3A_432, %dma_wait3A_704] : memref<512x64xf32, #tpu.memory_space<vmem>> -> memref<1x64xf32, #tpu.memory_space<vmem>>
      %dma_wait3A_706 = arith.constant 0 : i32
      %dma_wait3A_707 = tpu.memref_slice %arg2[%squeeze3A_428, %dma_wait3A_706] : memref<1000000x64xf32, #tpu.memory_space<hbm>> -> memref<1x64xf32, #tpu.memory_space<hbm>>
      tpu.wait_dma2 semaphore(%arg9 : memref<!tpu.dma_semaphore, #tpu.memory_space<semaphore_mem>>) src(%dma_wait3A_707 : memref<1x64xf32, #tpu.memory_space<hbm>>) dst(%dma_wait3A_705 : memref<1x64xf32, #tpu.memory_space<vmem>>)
      %dma_wait3A_708 = arith.constant 0 : i32
      %dma_wait3A_709 = tpu.memref_slice %arg7[%add3A_446, %dma_wait3A_708] : memref<512x64xf32, #tpu.memory_space<vmem>> -> memref<1x64xf32, #tpu.memory_space<vmem>>
      %dma_wait3A_710 = arith.constant 0 : i32
      %dma_wait3A_711 = tpu.memref_slice %arg2[%squeeze3A_442, %dma_wait3A_710] : memref<1000000x64xf32, #tpu.memory_space<hbm>> -> memref<1x64xf32, #tpu.memory_space<hbm>>
      %dma_wait3A_712 = arith.constant 0 : i32
      %dma_wait3A_713 = tpu.memref_slice %arg7[%add3A_446, %dma_wait3A_712] : memref<512x64xf32, #tpu.memory_space<vmem>> -> memref<1x64xf32, #tpu.memory_space<vmem>>
      %dma_wait3A_714 = arith.constant 0 : i32
      %dma_wait3A_715 = tpu.memref_slice %arg2[%squeeze3A_442, %dma_wait3A_714] : memref<1000000x64xf32, #tpu.memory_space<hbm>> -> memref<1x64xf32, #tpu.memory_space<hbm>>
      tpu.wait_dma2 semaphore(%arg9 : memref<!tpu.dma_semaphore, #tpu.memory_space<semaphore_mem>>) src(%dma_wait3A_715 : memref<1x64xf32, #tpu.memory_space<hbm>>) dst(%dma_wait3A_713 : memref<1x64xf32, #tpu.memory_space<vmem>>)
      %dma_wait3A_716 = arith.constant 0 : i32
      %dma_wait3A_717 = tpu.memref_slice %arg7[%add3A_460, %dma_wait3A_716] : memref<512x64xf32, #tpu.memory_space<vmem>> -> memref<1x64xf32, #tpu.memory_space<vmem>>
      %dma_wait3A_718 = arith.constant 0 : i32
      %dma_wait3A_719 = tpu.memref_slice %arg2[%squeeze3A_456, %dma_wait3A_718] : memref<1000000x64xf32, #tpu.memory_space<hbm>> -> memref<1x64xf32, #tpu.memory_space<hbm>>
      %dma_wait3A_720 = arith.constant 0 : i32
      %dma_wait3A_721 = tpu.memref_slice %arg7[%add3A_460, %dma_wait3A_720] : memref<512x64xf32, #tpu.memory_space<vmem>> -> memref<1x64xf32, #tpu.memory_space<vmem>>
      %dma_wait3A_722 = arith.constant 0 : i32
      %dma_wait3A_723 = tpu.memref_slice %arg2[%squeeze3A_456, %dma_wait3A_722] : memref<1000000x64xf32, #tpu.memory_space<hbm>> -> memref<1x64xf32, #tpu.memory_space<hbm>>
      tpu.wait_dma2 semaphore(%arg9 : memref<!tpu.dma_semaphore, #tpu.memory_space<semaphore_mem>>) src(%dma_wait3A_723 : memref<1x64xf32, #tpu.memory_space<hbm>>) dst(%dma_wait3A_721 : memref<1x64xf32, #tpu.memory_space<vmem>>)
    }
    %scan3A_9 = arith.constant 16 : i32
    %mul3A_10 = arith.constant 512 : i32
    %mul3A_11 = arith.muli %add3A, %mul3A_10 : i32
    "tpu.region"() ({
      %run_scoped3A = tpu.sem_alloc : memref<!tpu.dma_semaphore, #tpu.memory_space<semaphore_mem>>
      %dma_start3A = arith.constant 0 : i32
      %dma_start3A_12 = tpu.memref_slice %arg5[%mul3A_11, %dma_start3A] : memref<20480x64xf32, #tpu.memory_space<hbm>> -> memref<512x64xf32, #tpu.memory_space<hbm>>
      %dma_start3A_13 = arith.constant 0 : i32
      %dma_start3A_14 = tpu.memref_slice %arg5[%mul3A_11, %dma_start3A_13] : memref<20480x64xf32, #tpu.memory_space<hbm>> -> memref<512x64xf32, #tpu.memory_space<hbm>>
      tpu.enqueue_dma source(%arg7 : memref<512x64xf32, #tpu.memory_space<vmem>>) target(%dma_start3A_14 : memref<512x64xf32, #tpu.memory_space<hbm>>) target_semaphore(%run_scoped3A : memref<!tpu.dma_semaphore, #tpu.memory_space<semaphore_mem>>)
      %dma_wait3A = arith.constant 0 : i32
      %dma_wait3A_15 = tpu.memref_slice %arg5[%mul3A_11, %dma_wait3A] : memref<20480x64xf32, #tpu.memory_space<hbm>> -> memref<512x64xf32, #tpu.memory_space<hbm>>
      %dma_wait3A_16 = arith.constant 0 : i32
      %dma_wait3A_17 = tpu.memref_slice %arg5[%mul3A_11, %dma_wait3A_16] : memref<20480x64xf32, #tpu.memory_space<hbm>> -> memref<512x64xf32, #tpu.memory_space<hbm>>
      tpu.wait_dma2 semaphore(%run_scoped3A : memref<!tpu.dma_semaphore, #tpu.memory_space<semaphore_mem>>) src(%arg7 : memref<512x64xf32, #tpu.memory_space<vmem>>) dst(%dma_wait3A_17 : memref<512x64xf32, #tpu.memory_space<hbm>>)
      tpu.yield
    }) : () -> ()
    return
  }
}

</mosaic_0001>

<sc_bundles>
// kernel: _run.3.cloned.1.call-start
scs
__scs_entry_jumppad:
0x0: {  	(pc) =	sbr.rel $0x88, $3  }
0x1: {  	(tag) =	ssettag $0x0;
	lr =	simm.s32 $0x1  }
0x2: {  	[smem:$0x3F9E] =	sst lr;
	_ =	strace $0xD0000000  }
0x3: {  	_ = 	snop  }
0x4: {  	_ = 	snop  }
0x5: {  	_ = 	snop  }
0x6: {  	_ = 	snop  }
0x7: {  	_ = 	snop  }
__scs_overlays_trampoline_lowered:
0x8: {  	[smem:$0x3FAD] =	sst s0  }
0x9: {  	[smem:$0x3FAE] =	sst s1  }
0xa: {  	[smem:$0x3FAF] =	sst s2  }
0xb: {  	[smem:$0x3FB0] =	sst s3  }
0xc: {  	[smem:$0x3FB1] =	sst s4  }
0xd: {  	[smem:$0x3FB2] =	sst s5  }
0xe: {  	[smem:$0x3FB3] =	sst s6  }
0xf: {  	[smem:$0x3FB4] =	sst s7  }
0x10: {  	[smem:$0x3FB5] =	sst s8  }
0x11: {  	[smem:$0x3FB6] =	sst s9;
	s0 =	simm.s32 @!p0 $0x0  }
0x12: {  	s1 =	sld [smem:$0x3F9C];
	s0 =	simm.s32 @p0 $0x1  }
0x13: {  	[smem:$0x3FB7] =	sst s0;
	s0 =	simm.s32 @!p1 $0x0  }
0x14: {  	s2 =	sld [smem:$0x3F9B];
	s0 =	simm.s32 @p1 $0x1  }
0x15: {  	[smem:$0x3FB8] =	sst s0;
	s0 =	simm.s32 @!p2 $0x0  }
0x16: {  	s3 =	sld [smem:$0x3FDB];
	s0 =	simm.s32 @p2 $0x1  }
0x17: {  	s4 =	simm.s32 $0x1BF5;
	[smem:$0x3FBA] =	sst s0  }
0x18: {  	s0 =	sld [smem:$0x3F9D];
	_ =	swait.ge [sflag:s4], $0x0  }
0x19: {  	s7 =	sld [smem:$0x3F9E]  }
0x1a: {  	s8 =	sadd.s32 $0xFFFFE003, lr  }
0x1b: {  	s9 =	sadd.s32 $0xFFFFFEF7, lr;
	s5 =	simm.s32 $0xFFFFFFFF;
	p2 =	slt.u32 s8, $0xFFFFF086  }
0x1c: {  	p1 =	slt.u32 s9, $0xF7A;
	s5 =	simm.s32 @!p2 $0x0  }
0x1d: {  	s5 =	simm.s32 @p1 $0x1;
	p0 =	seq.s32 s7, s2  }
0x1e: {  	s7 =	smul.u32 @!p0 $0xF7A, s2;
	p2 =	seq.s32 @!p0 s5, $0x0  }
0x1f: {  	s9 =	smul.u32 $0xF7A, s1;
	s8 =	simm.s32 @!p0 $0x1BF5;
	p2 =	por !p2, p0  }
0x20: {  	[sflag:s8] =	ssyncset.s32 @!p0 $0xFFFFF086;
	s6 =	sadd.s32 @!p0 s3, s7;
	s7 =	simm.s32 @!p0 $0x108  }
0x21: {  	s3 =	sadd.s32 s3, s9;
	s6 =	sadd.s32 @!p0 $0x88, s6;
	s7 =	simm.s32 @p2 $0x1082  }
0x22: {  	[simem:s7], [sflag:s8] =	dma.local @!p0 [hbm:s6], $0xF7A  }
0x23: {  	s9 =	sor.u32 $0xD0000000, s2;
	s6 =	simm.s32 $0x108;
	_ =	swait.ge @!p0 [sflag:s8], $0x0  }
0x24: {  	s3 =	sadd.s32 $0x88, s3;
	s6 =	simm.s32 @!p1 $0x1082;
	[sflag:s4] =	ssyncset.s32 $0xFFFFF086  }
0x25: {  	[simem:s6], [sflag:s4] =	dma.local [hbm:s3], $0xF7A  }
0x26: {  	[smem:$0x3F9E] =	sst s1;
	(tag) =	ssettag s2;
	_ =	strace s9  }
0x27: {  	s1 =	sld [smem:$0x3FAE]  }
0x28: {  	s2 =	sld [smem:$0x3FAF]  }
0x29: {  	s4 =	sld [smem:$0x3FB1]  }
0x2a: {  	p0 =	seq.s32 s5, $0x0;
	s5 =	sld [smem:$0x3FB2]  }
0x2b: {  	s6 =	sld [smem:$0x3FB3]  }
0x2c: {  	s7 =	sld [smem:$0x3FB4]  }
0x2d: {  	s3 =	simm.s32 $0x108;
	s8 =	sld [smem:$0x3FB5]  }
0x2e: {  	s3 =	simm.s32 @!p0 $0x1082;
	s9 =	sld [smem:$0x3FB6]  }
0x2f: {  	lr =	sadd.s32 s0, s3;
	s0 =	sld [smem:$0x3FAD]  }
0x30: {  	s3 =	sld [smem:$0x3FB0]  }
0x31: {  	[smem:$0x3FB9] =	sst s10  }
0x32: {  	s10 =	sld [smem:$0x3FB7];
	_ =	sdelay $0x3  }
0x33: {  	p0 =	seq.s32 s10, $0x1;
	s10 =	sld [smem:$0x3FB9];
	_ =	sdelay $0x3  }
0x34: {  	[smem:$0x3FB9] =	sst s10  }
0x35: {  	s10 =	sld [smem:$0x3FB8];
	_ =	sdelay $0x3  }
0x36: {  	p1 =	seq.s32 s10, $0x1;
	s10 =	sld [smem:$0x3FB9];
	_ =	sdelay $0x3  }
0x37: {  	[smem:$0x3FB9] =	sst s10  }
0x38: {  	s10 =	sld [smem:$0x3FBA]  }
0x39: {  	_ = 	snop;
	(pc) =	sbr.ind lr, $3  }
0x3a: {  	_ = 	snop  }
0x3b: {  	_ = 	snop  }
0x3c: {  	p2 =	seq.s32 s10, $0x1;
	s10 =	sld [smem:$0x3FB9]  }
0x3d: {  	_ =	shalt  }
0x3e: {  	_ =	shalt  }
0x3f: {  	_ =	shalt  }
0x40: {  	_ =	shalt  }
0x41: {  	_ =	shalt  }
0x42: {  	_ =	shalt  }
0x43: {  	_ =	shalt  }
0x44: {  	_ =	shalt  }
0x45: {  	_ =	shalt  }
0x46: {  	_ =	shalt  }
0x47: {  	_ =	shalt  }
0x48: {  	_ =	shalt  }
0x49: {  	_ =	shalt  }
0x4a: {  	_ =	shalt  }
0x4b: {  	_ =	shalt  }
0x4c: {  	_ =	shalt  }
0x4d: {  	_ =	shalt  }
0x4e: {  	_ =	shalt  }
0x4f: {  	_ =	shalt  }
0x50: {  	_ =	shalt  }
0x51: {  	_ =	shalt  }
0x52: {  	_ =	shalt  }
0x53: {  	_ =	shalt  }
0x54: {  	_ =	shalt  }
0x55: {  	_ =	shalt  }
0x56: {  	_ =	shalt  }
0x57: {  	_ =	shalt  }
0x58: {  	_ =	shalt  }
0x59: {  	_ =	shalt  }
0x5a: {  	_ =	shalt  }
0x5b: {  	_ =	shalt  }
0x5c: {  	_ =	shalt  }
0x5d: {  	_ =	shalt  }
0x5e: {  	_ =	shalt  }
0x5f: {  	_ =	shalt  }
0x60: {  	_ =	shalt  }
0x61: {  	_ =	shalt  }
0x62: {  	_ =	shalt  }
0x63: {  	_ =	shalt  }
0x64: {  	_ =	shalt  }
0x65: {  	_ =	shalt  }
0x66: {  	_ =	shalt  }
0x67: {  	_ =	shalt  }
0x68: {  	_ =	shalt  }
0x69: {  	_ =	shalt  }
0x6a: {  	_ =	shalt  }
0x6b: {  	_ =	shalt  }
0x6c: {  	_ =	shalt  }
0x6d: {  	_ =	shalt  }
0x6e: {  	_ =	shalt  }
0x6f: {  	_ =	shalt  }
0x70: {  	_ =	shalt  }
0x71: {  	_ =	shalt  }
0x72: {  	_ =	shalt  }
0x73: {  	_ =	shalt  }
0x74: {  	_ =	shalt  }
0x75: {  	_ =	shalt  }
0x76: {  	_ =	shalt  }
0x77: {  	_ =	shalt  }
0x78: {  	_ =	shalt  }
0x79: {  	_ =	shalt  }
0x7a: {  	_ =	shalt  }
0x7b: {  	_ =	shalt  }
0x7c: {  	_ =	shalt  }
0x7d: {  	_ =	shalt  }
0x7e: {  	_ =	shalt  }
0x7f: {  	_ =	shalt  }
0x80: {  	_ =	shalt  }
0x81: {  	_ =	shalt  }
0x82: {  	_ =	shalt  }
0x83: {  	_ =	shalt  }
0x84: {  	_ =	shalt  }
0x85: {  	_ =	shalt  }
0x86: {  	_ =	shalt  }
0x87: {  	_ =	shalt  }
.Lfunc_end0:
.L_simem_size_0:
called_computation_lowered:
.L_overlay_start_0:
0x88: {  	s2 =	sld [smem:$0x3FD9]  }
0x89: {  	s3 =	sld [smem:$0x3FFE];
	_ =	sdelay $0x1  }
0x8a: {  	s1 =	srdreg.scid  }
0x8b: {  	s0 =	sand.u32 $0x1, s1  }
0x8c: {  	s17 =	sshll.u32 s0, $0xA;
	s2 =	sadd.s32 s3, s2  }
0x8d: {  	s2 =	sadd.s32 s2, s17  }
0x8e: {  	[smem:$0x3FC5] =	sst s2  }
0x8f: {  	_ = 	snop  }
0x90: {  	s2 =	sld [smem:$0x3FC8]  }
0x91: {  	s18 =	sld [smem:$0x3FD0];
	(tm) =	ssettm $0x1  }
0x92: {  	s4 =	sld [smem:$0x3FFB];
	_ =	sdelay $0x3  }
0x93: {  	_ =	strace s4  }
0x94: {  	s4 =	sld [smem:$0x3FFC];
	_ =	sdelay $0x3  }
0x95: {  	_ =	strace s4  }
0x96: {  	s4 =	sld [smem:$0x3FFD];
	_ =	sdelay $0x3  }
0x97: {  	_ =	strace s4  }
0x98: {  	_ =	strace $0x8FFFFFFF  }
0x99: {  	s19 =	sld [smem:$0x3FDB];
	_ =	sdelay $0x1  }
0x9a: {  	s5 =	simm.s32 $_scs_section_size  }
0x9b: {  	s6 =	simm.s32 $_size__tile_overlayer_lowered;
	s7 =	simm.s32 $_tile_overlayer_lowered  }
0x9c: {  	s22 =	simm.s32 $0x1BFF;
	s21 =	sshll.u32 s7, $0x1;
	s4 =	sadd.s32 s5, s19  }
0x9d: {  	s8 =	simm.s32 $0x0;
	s20 =	sshll.u32 s6, $0x1;
	s6 =	sadd.s32 s21, s4  }
0x9e: {  	[timem:s8], [sflag:s22] =	dma.local [hbm:s6], s20  }
0x9f: {  	_ =	swait.ge [sflag:s22], s20  }
0xa0: {  	s5 =	ssub.s32 $0x0, s20;
	[sflag:s22] =	ssyncset.done $0x0  }
0xa1: {  	[sflag:s22] =	ssyncadd.s32 s5;
	_ =	sdelay $0x1  }
0xa2: {  	s23 =	simm.s32 $0x1B8B  }
0xa3: {  	_ =	swait.ge [sflag:s23], $0x1  }
0xa4: {  	[sflag:s23] =	ssyncset.done $0x0  }
0xa5: {  	s25 =	simm.s32 $0x1B8E;
	s24 =	sld [smem:$0x3FFE];
	[sflag:s23] =	ssyncadd.s32 $0xFFFFFFFF  }
0xa6: {  	s26 =	simm.s32 $execute0_lowered;
	[smem:$0x3FD2] =	sst s25  }
0xa7: {  	s6 =	sshll.u32 s26, $0x1;
	_ =	strace $0x80000046;
	[dreg:$0x1] =	wrdreg $0xFFFFFFFF  }
0xa8: {  	s28 =	simm.s32 $_size_execute0_lowered;
	s4 =	sadd.s32 s4, s6;
	[dreg:$0x0] =	wrdreg $0x0  }
0xa9: {  	s6 =	sshll.u32 s28, $0x1;
	[dreg:$0x2] =	wrdreg s4  }
0xaa: {  	[dreg:$0x3] =	wrdreg s6  }
0xab: {  	[dreg:$0x4] =	wrdreg $0xC0  }
0xac: {  	_ =	task [dreg:s8], $0x5FFFF  }
0xad: {  	[dreg:$0x1] =	wrdreg $0xFFFFFFFF  }
0xae: {  	[dreg:$0x0] =	wrdreg $0x60  }
0xaf: {  	[dreg:$0x2] =	wrdreg s24  }
0xb0: {  	[dreg:$0x3] =	wrdreg s2  }
0xb1: {  	[dreg:$0x4] =	wrdreg s18  }
0xb2: {  	[dreg:$0x5] =	wrdreg $0x9  }
0xb3: {  	_ =	task.clear_ibuf [dreg:s8], $0x6FFFF;
	_ =	strace $0x90000046  }
0xb4: {  	s29 =	simm.s32 $0x9;
	_ =	strace $0x80000048  }
0xb5: {  	_ =	swait.ge [sflag:s29], $0x1  }
0xb6: {  	[sflag:s29] =	ssyncadd.s32 $0xFFFFFFFF  }
0xb7: {  	_ =	strace $0x90000048  }
0xb8: {  	_ =	sfence  }
0xb9: {  	s30 =	sld [smem:$0x0];
	_ =	sdelay $0x2  }
0xba: {  	s31 =	sshll.u32 s1, $0xD;
	s1 =	sshrl.u32 s1, $0x2  }
0xbb: {  	s3 =	sand.u32 $0x4000, s31;
	s1 =	sadd.s32 s1, s30  }
0xbc: {  	s0 =	sor.u32 s3, s0;
	s1 =	sshll.u32 s1, $0x11  }
0xbd: {  	s0 =	sor.u32 s1, s0  }
0xbe: {  	s0 =	sadd.s32 $0x8F2B, s0  }
0xbf: {  	[sflag:s0] =	ssyncadd.remote.s32 $0x1  }
0xc0: {  	_ =	sfence.sel $0xFFFF  }
0xc1: {  	[dreg:$0x0] =	wrdreg $0xFFFFFFFF;
	(pc) =	sbr.abs _section_cstart, $3  }
0xc2: {  	[dreg:$0x1] =	wrdreg $0xFFFFFFFF  }
0xc3: {  	_ =	task.clear_ibuf [dreg:s8], $0x2FFFF;
	_ =	strace $0x9FFFFFFF  }
0xc4: {  	(tm) =	ssettm $0x7FFFFFFF  }
0xc5: {  	_ =	shalt  }
tec
execute0_lowered:
.L_overlay_start_1:
0x0: {  	(tag) =	ssettag $0x1  }
0x1: {  	s4 =	rddreg [dreg:$0x0]  }
0x2: {  	s5 =	rddreg [dreg:$0x1]  }
0x3: {  	s6 =	rddreg [dreg:$0x2];
	s1 =	simm.s32 $0x0;
	s7 =	srdreg.scid  }
0x4: {  	s0 =	stileid.u32;
	s13 =	simm.s32 $0x1;
	s15 =	simm.s32 $0x0  }
0x5: {  	[smem:$0x7FF] =	sst s1;
	s3 =	sadd.s32 $0x400, s4;
	s8 =	sadd.s32 $0xF42800, s4  }
0x6: {  	s26 =	sand.u32 $0x1, s7;
	s28 =	sshll.u32 s0, $0x1;
	s29 =	sshll.u32 s0, $0x7  }
0x7: {  	_ =	strace $0x80000047;
	s9 =	ssub.s32 $0x2, s26;
	s7 =	sor.u32 s26, s28  }
0x8: {  	s4 =	sand.u32 $0x600, s29;
	s10 =	sshrl.u32 s9, $0x1;
	s11 =	sshll.u32 s7, $0x4  }
0x9: {  	s4 =	sadd.s32 s5, s4;
	s30 =	sshll.u32 s7, $0xB;
	s7 =	sshll.u32 s7, $0xD  }
0xa: {  	s11 =	sand.u32 $0x70, s11;
	s9 =	ssub.s32 s9, s10;
	s31 =	sadd.s32 s30, s8  }
0xb: {  	s5 =	sadd.s32 s6, s30;
	s7 =	sadd.s32 s8, s7;
	s4 =	sadd.s32 s11, s4  }
0xc: {  	s6 =	sadd.s32 $0x40000, s31;
	s8 =	smax.u32 s9, $0x1;
	s11 =	simm.s32 $0x2  }
.LBB2_1:
0xd: {  	s0 =	simm.s32 $0x80;
	s2 =	simm.s32 $0x400  }
0xe: {  	[tilespmem:s1], [sflag:$0x2] =	stream.strided.gather [hbm4b:s4+s0], $0x200, s2, s0, $0x38;
	[tilespmem:$0x14200] =	vst v63  }
0xf: {  	_ =	swait.ge [sflag:s11], $0x200  }
0x10: {  	[sflag:s11] =	ssyncset.done $0x0  }
0x11: {  	s22 =	simm.s32 $0x10200;
	[sflag:s11] =	ssyncadd.s32 $0xFFFFFE00  }
0x12: {  	[tilespmem:s22], [sflag:$0x2] =	stream.linear.gather [hbm4b:s5+s1], $0x4000, $0x38;
	[tilespmem:$0x14200] =	vst v63  }
0x13: {  	_ =	swait.ge [sflag:s11], $0x4000  }
0x14: {  	[sflag:s11] =	ssyncset.done $0x0  }
0x15: {  	[sflag:s11] =	ssyncadd.s32 $0xFFFFC000  }
0x16: {  	[hbm4b:s6+s1] =	stream.linear.scatter [tilespmem:s22], [sflag:$0x2], $0x4000, $0x38;
	[tilespmem:$0x14200] =	vst v63  }
0x17: {  	_ =	swait.ge [sflag:s11], $0x4000  }
0x18: {  	[sflag:s11] =	ssyncset.done $0x0  }
0x19: {  	s16 =	simm.s32 $0x10;
	[sflag:s11] =	ssyncadd.s32 $0xFFFFC000  }
0x1a: {  	v0 =	vld [tilespmem:s16+$0xFFFFFFF0];
	_ =	sdelay $0x4  }
0x1b: {  	v0 =	vshll.u32 v0, $0x4  }
0x1c: {  	(v2sf) =	vpush v0, $0x0;
	_ =	sdelay $0x1  }
0x1d: {  	(v2sf) =	vpush v0, $0x1;
	_ =	sdelay $0x1  }
0x1e: {  	(v2sf) =	vpush v0, $0x2;
	_ =	sdelay $0x2  }
0x1f: {  	(v2sf) =	vpush v0, $0x3;
	_ =	sdelay $0x7  }
0x20: {  	s17 =	spop (v2sf);
	(v2sf) =	vpush v0, $0x4;
	_ =	sdelay $0x1  }
0x21: {  	s23 =	spop (v2sf);
	(v2sf) =	vpush v0, $0x5;
	_ =	sdelay $0x1  }
0x22: {  	s25 =	spop (v2sf);
	(v2sf) =	vpush v0, $0x6;
	_ =	sdelay $0x1  }
0x23: {  	s17 =	sand.u32 $0x1FFFFFF0, s17  }
0x24: {  	s18 =	simm.s32 $0x200;
	s17 =	sadd.s32 s3, s17;
	s28 =	spop (v2sf);
	(v2sf) =	vpush v0, $0x7  }
0x25: {  	[tilespmem:s18], [sflag:$0x1] =	stream.linear.gather [hbm4b:s17+s1], $0x80, $0x38;
	[tilespmem:$0x14200] =	vst v63  }
0x26: {  	s17 =	sand.u32 $0x1FFFFFF0, s23  }
0x27: {  	s24 =	simm.s32 $0x280;
	s17 =	sadd.s32 s3, s17  }
0x28: {  	[tilespmem:s24], [sflag:$0x1] =	stream.linear.gather [hbm4b:s17+s1], $0x80, $0x38;
	[tilespmem:$0x14200] =	vst v63  }
0x29: {  	s17 =	sand.u32 $0x1FFFFFF0, s25  }
0x2a: {  	s26 =	simm.s32 $0x300;
	s17 =	sadd.s32 s3, s17  }
0x2b: {  	[tilespmem:s26], [sflag:$0x1] =	stream.linear.gather [hbm4b:s17+s1], $0x80, $0x38;
	[tilespmem:$0x14200] =	vst v63  }
0x2c: {  	s30 =	spop (v2sf);
	(v2sf) =	vpush v0, $0x8  }
0x2d: {  	s17 =	sand.u32 $0x1FFFFFF0, s28  }
0x2e: {  	s29 =	simm.s32 $0x380;
	s17 =	sadd.s32 s3, s17;
	s0 =	spop (v2sf);
	(v2sf) =	vpush v0, $0x9  }
0x2f: {  	[tilespmem:s29], [sflag:$0x1] =	stream.linear.gather [hbm4b:s17+s1], $0x80, $0x38;
	[tilespmem:$0x14200] =	vst v63  }
0x30: {  	s17 =	sand.u32 $0x1FFFFFF0, s30;
	s9 =	spop (v2sf);
	(v2sf) =	vpush v0, $0xA  }
0x31: {  	s31 =	simm.s32 $0x400;
	s17 =	sadd.s32 s3, s17  }
0x32: {  	[tilespmem:s31], [sflag:$0x1] =	stream.linear.gather [hbm4b:s17+s1], $0x80, $0x38;
	[tilespmem:$0x14200] =	vst v63  }
0x33: {  	s12 =	spop (v2sf);
	(v2sf) =	vpush v0, $0xB  }
0x34: {  	s17 =	sand.u32 $0x1FFFFFF0, s0  }
0x35: {  	s2 =	simm.s32 $0x480;
	s17 =	sadd.s32 s3, s17  }
0x36: {  	[tilespmem:s2], [sflag:$0x1] =	stream.linear.gather [hbm4b:s17+s1], $0x80, $0x38;
	[tilespmem:$0x14200] =	vst v63  }
0x37: {  	s17 =	sand.u32 $0x1FFFFFF0, s9  }
0x38: {  	s10 =	simm.s32 $0x500;
	s17 =	sadd.s32 s3, s17  }
0x39: {  	[tilespmem:s10], [sflag:$0x1] =	stream.linear.gather [hbm4b:s17+s1], $0x80, $0x38;
	[tilespmem:$0x14200] =	vst v63  }
0x3a: {  	s17 =	sand.u32 $0x1FFFFFF0, s12  }
0x3b: {  	s14 =	simm.s32 $0x580;
	s17 =	sadd.s32 s3, s17;
	s19 =	spop (v2sf);
	(v2sf) =	vpush v0, $0xC  }
0x3c: {  	[tilespmem:s14], [sflag:$0x1] =	stream.linear.gather [hbm4b:s17+s1], $0x80, $0x38;
	[tilespmem:$0x14200] =	vst v63  }
0x3d: {  	s21 =	spop (v2sf);
	(v2sf) =	vpush v0, $0xD  }
0x3e: {  	s17 =	sand.u32 $0x1FFFFFF0, s19  }
0x3f: {  	s20 =	simm.s32 $0x600;
	s17 =	sadd.s32 s3, s17;
	s23 =	spop (v2sf)  }
0x40: {  	(v2sf) =	vpush v0, $0xE;
	[tilespmem:s20], [sflag:$0x1] =	stream.linear.gather [hbm4b:s17+s1], $0x80, $0x38;
	[tilespmem:$0x14200] =	vst v63  }
0x41: {  	s17 =	sand.u32 $0x1FFFFFF0, s21  }
0x42: {  	s22 =	simm.s32 $0x680;
	s25 =	spop (v2sf);
	s17 =	sadd.s32 s3, s17  }
0x43: {  	(v2sf) =	vpush v0, $0xF;
	[tilespmem:s22], [sflag:$0x1] =	stream.linear.gather [hbm4b:s17+s1], $0x80, $0x38;
	[tilespmem:$0x14200] =	vst v63  }
0x44: {  	s17 =	sand.u32 $0x1FFFFFF0, s23  }
0x45: {  	s24 =	simm.s32 $0x700;
	s17 =	sadd.s32 s3, s17  }
0x46: {  	[tilespmem:s24], [sflag:$0x1] =	stream.linear.gather [hbm4b:s17+s1], $0x80, $0x38;
	[tilespmem:$0x14200] =	vst v63  }
0x47: {  	s17 =	sand.u32 $0x1FFFFFF0, s25  }
0x48: {  	s26 =	simm.s32 $0x780;
	s17 =	sadd.s32 s3, s17  }
0x49: {  	[tilespmem:s26], [sflag:$0x1] =	stream.linear.gather [hbm4b:s17+s1], $0x80, $0x38;
	[tilespmem:$0x14200] =	vst v63  }
0x4a: {  	s28 =	spop (v2sf)  }
0x4b: {  	s17 =	sand.u32 $0x1FFFFFF0, s28  }
0x4c: {  	s29 =	simm.s32 $0x800;
	s30 =	spop (v2sf);
	s17 =	sadd.s32 s3, s17  }
0x4d: {  	[tilespmem:s29], [sflag:$0x1] =	stream.linear.gather [hbm4b:s17+s1], $0x80, $0x38;
	[tilespmem:$0x14200] =	vst v63  }
0x4e: {  	s17 =	sand.u32 $0x1FFFFFF0, s30  }
0x4f: {  	s31 =	simm.s32 $0x880;
	s0 =	spop (v2sf);
	s17 =	sadd.s32 s3, s17  }
0x50: {  	[tilespmem:s31], [sflag:$0x1] =	stream.linear.gather [hbm4b:s17+s1], $0x80, $0x38;
	[tilespmem:$0x14200] =	vst v63  }
0x51: {  	s17 =	sand.u32 $0x1FFFFFF0, s0  }
0x52: {  	s2 =	simm.s32 $0x900;
	s9 =	spop (v2sf);
	s17 =	sadd.s32 s3, s17  }
0x53: {  	[tilespmem:s2], [sflag:$0x1] =	stream.linear.gather [hbm4b:s17+s1], $0x80, $0x38;
	[tilespmem:$0x14200] =	vst v63  }
0x54: {  	s17 =	sand.u32 $0x1FFFFFF0, s9  }
0x55: {  	s10 =	simm.s32 $0x980;
	s17 =	sadd.s32 s3, s17  }
0x56: {  	[tilespmem:s10], [sflag:$0x1] =	stream.linear.gather [hbm4b:s17+s1], $0x80, $0x38;
	[tilespmem:$0x14200] =	vst v63  }
0x57: {  	v63 =	vld [tilespmem:s16+$0x0];
	_ =	sdelay $0x4  }
0x58: {  	v0 =	vshll.u32 v63, $0x4  }
0x59: {  	(v2sf) =	vpush v0, $0x0;
	_ =	sdelay $0x1  }
0x5a: {  	(v2sf) =	vpush v0, $0x1;
	_ =	sdelay $0x1  }
0x5b: {  	(v2sf) =	vpush v0, $0x2;
	_ =	sdelay $0x2  }
0x5c: {  	(v2sf) =	vpush v0, $0x3;
	_ =	sdelay $0x7  }
0x5d: {  	s12 =	spop (v2sf);
	(v2sf) =	vpush v0, $0x4;
	_ =	sdelay $0x1  }
0x5e: {  	s19 =	spop (v2sf);
	(v2sf) =	vpush v0, $0x5;
	_ =	sdelay $0x1  }
0x5f: {  	s21 =	spop (v2sf);
	(v2sf) =	vpush v0, $0x6;
	_ =	sdelay $0x1  }
0x60: {  	s17 =	sand.u32 $0x1FFFFFF0, s12  }
0x61: {  	s14 =	simm.s32 $0xA00;
	s17 =	sadd.s32 s3, s17;
	s23 =	spop (v2sf);
	(v2sf) =	vpush v0, $0x7  }
0x62: {  	[tilespmem:s14], [sflag:$0x1] =	stream.linear.gather [hbm4b:s17+s1], $0x80, $0x38;
	[tilespmem:$0x14200] =	vst v63  }
0x63: {  	s17 =	sand.u32 $0x1FFFFFF0, s19  }
0x64: {  	s20 =	simm.s32 $0xA80;
	s17 =	sadd.s32 s3, s17  }
0x65: {  	[tilespmem:s20], [sflag:$0x1] =	stream.linear.gather [hbm4b:s17+s1], $0x80, $0x38;
	[tilespmem:$0x14200] =	vst v63  }
0x66: {  	s17 =	sand.u32 $0x1FFFFFF0, s21  }
0x67: {  	s22 =	simm.s32 $0xB00;
	s17 =	sadd.s32 s3, s17  }
0x68: {  	[tilespmem:s22], [sflag:$0x1] =	stream.linear.gather [hbm4b:s17+s1], $0x80, $0x38;
	[tilespmem:$0x14200] =	vst v63  }
0x69: {  	s25 =	spop (v2sf);
	(v2sf) =	vpush v0, $0x8  }
0x6a: {  	s17 =	sand.u32 $0x1FFFFFF0, s23  }
0x6b: {  	s24 =	simm.s32 $0xB80;
	s17 =	sadd.s32 s3, s17;
	s28 =	spop (v2sf);
	(v2sf) =	vpush v0, $0x9  }
0x6c: {  	[tilespmem:s24], [sflag:$0x1] =	stream.linear.gather [hbm4b:s17+s1], $0x80, $0x38;
	[tilespmem:$0x14200] =	vst v63  }
0x6d: {  	s17 =	sand.u32 $0x1FFFFFF0, s25;
	s30 =	spop (v2sf);
	(v2sf) =	vpush v0, $0xA  }
0x6e: {  	s26 =	simm.s32 $0xC00;
	s17 =	sadd.s32 s3, s17  }
0x6f: {  	[tilespmem:s26], [sflag:$0x1] =	stream.linear.gather [hbm4b:s17+s1], $0x80, $0x38;
	[tilespmem:$0x14200] =	vst v63  }
0x70: {  	s0 =	spop (v2sf);
	(v2sf) =	vpush v0, $0xB  }
0x71: {  	s17 =	sand.u32 $0x1FFFFFF0, s28  }
0x72: {  	s29 =	simm.s32 $0xC80;
	s17 =	sadd.s32 s3, s17  }
0x73: {  	[tilespmem:s29], [sflag:$0x1] =	stream.linear.gather [hbm4b:s17+s1], $0x80, $0x38;
	[tilespmem:$0x14200] =	vst v63  }
0x74: {  	s17 =	sand.u32 $0x1FFFFFF0, s30  }
0x75: {  	s31 =	simm.s32 $0xD00;
	s17 =	sadd.s32 s3, s17  }
0x76: {  	[tilespmem:s31], [sflag:$0x1] =	stream.linear.gather [hbm4b:s17+s1], $0x80, $0x38;
	[tilespmem:$0x14200] =	vst v63  }
0x77: {  	s17 =	sand.u32 $0x1FFFFFF0, s0  }
0x78: {  	s2 =	simm.s32 $0xD80;
	s17 =	sadd.s32 s3, s17;
	s9 =	spop (v2sf);
	(v2sf) =	vpush v0, $0xC  }
0x79: {  	[tilespmem:s2], [sflag:$0x1] =	stream.linear.gather [hbm4b:s17+s1], $0x80, $0x38;
	[tilespmem:$0x14200] =	vst v63  }
0x7a: {  	s12 =	spop (v2sf);
	(v2sf) =	vpush v0, $0xD  }
0x7b: {  	s17 =	sand.u32 $0x1FFFFFF0, s9  }
0x7c: {  	s10 =	simm.s32 $0xE00;
	s17 =	sadd.s32 s3, s17;
	s19 =	spop (v2sf)  }
0x7d: {  	(v2sf) =	vpush v0, $0xE;
	[tilespmem:s10], [sflag:$0x1] =	stream.linear.gather [hbm4b:s17+s1], $0x80, $0x38;
	[tilespmem:$0x14200] =	vst v63  }
0x7e: {  	s17 =	sand.u32 $0x1FFFFFF0, s12  }
0x7f: {  	s14 =	simm.s32 $0xE80;
	s21 =	spop (v2sf);
	s17 =	sadd.s32 s3, s17  }
0x80: {  	(v2sf) =	vpush v0, $0xF;
	[tilespmem:s14], [sflag:$0x1] =	stream.linear.gather [hbm4b:s17+s1], $0x80, $0x38;
	[tilespmem:$0x14200] =	vst v63  }
0x81: {  	s17 =	sand.u32 $0x1FFFFFF0, s19  }
0x82: {  	s20 =	simm.s32 $0xF00;
	s17 =	sadd.s32 s3, s17  }
0x83: {  	[tilespmem:s20], [sflag:$0x1] =	stream.linear.gather [hbm4b:s17+s1], $0x80, $0x38;
	[tilespmem:$0x14200] =	vst v63  }
0x84: {  	s17 =	sand.u32 $0x1FFFFFF0, s21  }
0x85: {  	s22 =	simm.s32 $0xF80;
	s17 =	sadd.s32 s3, s17  }
0x86: {  	[tilespmem:s22], [sflag:$0x1] =	stream.linear.gather [hbm4b:s17+s1], $0x80, $0x38;
	[tilespmem:$0x14200] =	vst v63  }
0x87: {  	s23 =	spop (v2sf)  }
0x88: {  	s17 =	sand.u32 $0x1FFFFFF0, s23  }
0x89: {  	s24 =	simm.s32 $0x1000;
	s25 =	spop (v2sf);
	s17 =	sadd.s32 s3, s17  }
0x8a: {  	[tilespmem:s24], [sflag:$0x1] =	stream.linear.gather [hbm4b:s17+s1], $0x80, $0x38;
	[tilespmem:$0x14200] =	vst v63  }
0x8b: {  	s17 =	sand.u32 $0x1FFFFFF0, s25  }
0x8c: {  	s26 =	simm.s32 $0x1080;
	s28 =	spop (v2sf);
	s17 =	sadd.s32 s3, s17  }
0x8d: {  	[tilespmem:s26], [sflag:$0x1] =	stream.linear.gather [hbm4b:s17+s1], $0x80, $0x38;
	[tilespmem:$0x14200] =	vst v63  }
0x8e: {  	s17 =	sand.u32 $0x1FFFFFF0, s28  }
0x8f: {  	s29 =	simm.s32 $0x1100;
	s30 =	spop (v2sf);
	s17 =	sadd.s32 s3, s17  }
0x90: {  	[tilespmem:s29], [sflag:$0x1] =	stream.linear.gather [hbm4b:s17+s1], $0x80, $0x38;
	[tilespmem:$0x14200] =	vst v63  }
0x91: {  	s17 =	sand.u32 $0x1FFFFFF0, s30  }
0x92: {  	s31 =	simm.s32 $0x1180;
	s17 =	sadd.s32 s3, s17  }
0x93: {  	[tilespmem:s31], [sflag:$0x1] =	stream.linear.gather [hbm4b:s17+s1], $0x80, $0x38;
	[tilespmem:$0x14200] =	vst v63  }
0x94: {  	_ =	swait.ge [sflag:s13], $0x80  }
0x95: {  	[sflag:s13] =	ssyncset.done $0x0  }
0x96: {  	[sflag:s13] =	ssyncadd.s32 $0xFFFFFF80  }
0x97: {  	_ =	swait.ge [sflag:s13], $0x80  }
0x98: {  	[sflag:s13] =	ssyncset.done $0x0  }
0x99: {  	[sflag:s13] =	ssyncadd.s32 $0xFFFFFF80  }
0x9a: {  	_ =	swait.ge [sflag:s13], $0x80  }
0x9b: {  	[sflag:s13] =	ssyncset.done $0x0  }
0x9c: {  	[sflag:s13] =	ssyncadd.s32 $0xFFFFFF80  }
0x9d: {  	_ =	swait.ge [sflag:s13], $0x80  }
0x9e: {  	[sflag:s13] =	ssyncset.done $0x0  }
0x9f: {  	[sflag:s13] =	ssyncadd.s32 $0xFFFFFF80  }
0xa0: {  	_ =	swait.ge [sflag:s13], $0x80  }
0xa1: {  	[sflag:s13] =	ssyncset.done $0x0  }
0xa2: {  	[sflag:s13] =	ssyncadd.s32 $0xFFFFFF80  }
0xa3: {  	_ =	swait.ge [sflag:s13], $0x80  }
0xa4: {  	[sflag:s13] =	ssyncset.done $0x0  }
0xa5: {  	[sflag:s13] =	ssyncadd.s32 $0xFFFFFF80  }
0xa6: {  	_ =	swait.ge [sflag:s13], $0x80  }
0xa7: {  	[sflag:s13] =	ssyncset.done $0x0  }
0xa8: {  	[sflag:s13] =	ssyncadd.s32 $0xFFFFFF80  }
0xa9: {  	_ =	swait.ge [sflag:s13], $0x80  }
0xaa: {  	[sflag:s13] =	ssyncset.done $0x0  }
0xab: {  	[sflag:s13] =	ssyncadd.s32 $0xFFFFFF80  }
0xac: {  	_ =	swait.ge [sflag:s13], $0x80  }
0xad: {  	[sflag:s13] =	ssyncset.done $0x0  }
0xae: {  	[sflag:s13] =	ssyncadd.s32 $0xFFFFFF80  }
0xaf: {  	_ =	swait.ge [sflag:s13], $0x80  }
0xb0: {  	[sflag:s13] =	ssyncset.done $0x0  }
0xb1: {  	[sflag:s13] =	ssyncadd.s32 $0xFFFFFF80  }
0xb2: {  	_ =	swait.ge [sflag:s13], $0x80  }
0xb3: {  	[sflag:s13] =	ssyncset.done $0x0  }
0xb4: {  	[sflag:s13] =	ssyncadd.s32 $0xFFFFFF80  }
0xb5: {  	_ =	swait.ge [sflag:s13], $0x80  }
0xb6: {  	[sflag:s13] =	ssyncset.done $0x0  }
0xb7: {  	[sflag:s13] =	ssyncadd.s32 $0xFFFFFF80  }
0xb8: {  	_ =	swait.ge [sflag:s13], $0x80  }
0xb9: {  	[sflag:s13] =	ssyncset.done $0x0  }
0xba: {  	[sflag:s13] =	ssyncadd.s32 $0xFFFFFF80  }
0xbb: {  	_ =	swait.ge [sflag:s13], $0x80  }
0xbc: {  	[sflag:s13] =	ssyncset.done $0x0  }
0xbd: {  	[sflag:s13] =	ssyncadd.s32 $0xFFFFFF80  }
0xbe: {  	_ =	swait.ge [sflag:s13], $0x80  }
0xbf: {  	[sflag:s13] =	ssyncset.done $0x0  }
0xc0: {  	[sflag:s13] =	ssyncadd.s32 $0xFFFFFF80  }
0xc1: {  	_ =	swait.ge [sflag:s13], $0x80  }
0xc2: {  	[sflag:s13] =	ssyncset.done $0x0  }
0xc3: {  	[sflag:s13] =	ssyncadd.s32 $0xFFFFFF80  }
0xc4: {  	_ =	swait.ge [sflag:s13], $0x80  }
0xc5: {  	[sflag:s13] =	ssyncset.done $0x0  }
0xc6: {  	[sflag:s13] =	ssyncadd.s32 $0xFFFFFF80  }
0xc7: {  	_ =	swait.ge [sflag:s13], $0x80  }
0xc8: {  	[sflag:s13] =	ssyncset.done $0x0  }
0xc9: {  	[sflag:s13] =	ssyncadd.s32 $0xFFFFFF80  }
0xca: {  	_ =	swait.ge [sflag:s13], $0x80  }
0xcb: {  	[sflag:s13] =	ssyncset.done $0x0  }
0xcc: {  	[sflag:s13] =	ssyncadd.s32 $0xFFFFFF80  }
0xcd: {  	_ =	swait.ge [sflag:s13], $0x80  }
0xce: {  	[sflag:s13] =	ssyncset.done $0x0  }
0xcf: {  	[sflag:s13] =	ssyncadd.s32 $0xFFFFFF80  }
0xd0: {  	_ =	swait.ge [sflag:s13], $0x80  }
0xd1: {  	[sflag:s13] =	ssyncset.done $0x0  }
0xd2: {  	[sflag:s13] =	ssyncadd.s32 $0xFFFFFF80  }
0xd3: {  	_ =	swait.ge [sflag:s13], $0x80  }
0xd4: {  	[sflag:s13] =	ssyncset.done $0x0  }
0xd5: {  	[sflag:s13] =	ssyncadd.s32 $0xFFFFFF80  }
0xd6: {  	_ =	swait.ge [sflag:s13], $0x80  }
0xd7: {  	[sflag:s13] =	ssyncset.done $0x0  }
0xd8: {  	[sflag:s13] =	ssyncadd.s32 $0xFFFFFF80  }
0xd9: {  	_ =	swait.ge [sflag:s13], $0x80  }
0xda: {  	[sflag:s13] =	ssyncset.done $0x0  }
0xdb: {  	[sflag:s13] =	ssyncadd.s32 $0xFFFFFF80  }
0xdc: {  	_ =	swait.ge [sflag:s13], $0x80  }
0xdd: {  	[sflag:s13] =	ssyncset.done $0x0  }
0xde: {  	[sflag:s13] =	ssyncadd.s32 $0xFFFFFF80  }
0xdf: {  	_ =	swait.ge [sflag:s13], $0x80  }
0xe0: {  	[sflag:s13] =	ssyncset.done $0x0  }
0xe1: {  	[sflag:s13] =	ssyncadd.s32 $0xFFFFFF80  }
0xe2: {  	_ =	swait.ge [sflag:s13], $0x80  }
0xe3: {  	[sflag:s13] =	ssyncset.done $0x0  }
0xe4: {  	[sflag:s13] =	ssyncadd.s32 $0xFFFFFF80  }
0xe5: {  	_ =	swait.ge [sflag:s13], $0x80  }
0xe6: {  	[sflag:s13] =	ssyncset.done $0x0  }
0xe7: {  	[sflag:s13] =	ssyncadd.s32 $0xFFFFFF80  }
0xe8: {  	_ =	swait.ge [sflag:s13], $0x80  }
0xe9: {  	[sflag:s13] =	ssyncset.done $0x0  }
0xea: {  	[sflag:s13] =	ssyncadd.s32 $0xFFFFFF80  }
0xeb: {  	_ =	swait.ge [sflag:s13], $0x80  }
0xec: {  	s17 =	simm.s32 $0x4000;
	[sflag:s13] =	ssyncset.done $0x0  }
.LBB2_2:
0xed: {  	p0 =	sne.s32 s17, $0x3C000;
	[sflag:s13] =	ssyncadd.s32 $0xFFFFFF80;
	s16 =	sadd.s32 $0x20, s16  }
0xee: {  	s18 =	smov.u32 s17;
	s17 =	sadd.s32 $0x4000, s17;
	_ =	swait.ge [sflag:s13], $0x80  }
0xef: {  	[sflag:s13] =	ssyncset.done $0x0  }
0xf0: {  	[sflag:s13] =	ssyncadd.s32 $0xFFFFFF80  }
0xf1: {  	_ =	swait.ge [sflag:s13], $0x80  }
0xf2: {  	[sflag:s13] =	ssyncset.done $0x0  }
0xf3: {  	[sflag:s13] =	ssyncadd.s32 $0xFFFFFF80  }
0xf4: {  	v0 =	vld [tilespmem:s16+$0xFFFFFFF0];
	_ =	sdelay $0x4  }
0xf5: {  	v0 =	vshll.u32 v0, $0x4  }
0xf6: {  	(v2sf) =	vpush v0, $0x0  }
0xf7: {  	(v2sf) =	vpush v0, $0x1  }
0xf8: {  	(v2sf) =	vpush v0, $0x2;
	_ =	sdelay $0x1  }
0xf9: {  	(v2sf) =	vpush v0, $0x3;
	_ =	sdelay $0x1  }
0xfa: {  	(v2sf) =	vpush v0, $0x4;
	_ =	sdelay $0x1  }
0xfb: {  	(v2sf) =	vpush v0, $0x5;
	_ =	sdelay $0x1  }
0xfc: {  	s18 =	sshra.s32 s18, $0x2;
	(v2sf) =	vpush v0, $0x6  }
0xfd: {  	s26 =	sadd.s32 $0x280, s18;
	s28 =	sadd.s32 $0x380, s18;
	s29 =	sadd.s32 $0x400, s18  }
0xfe: {  	s30 =	sadd.s32 $0x200, s18;
	s31 =	sadd.s32 $0x300, s18;
	s19 =	sadd.s32 $0x980, s18;
	(v2sf) =	vpush v0, $0x7  }
0xff: {  	s0 =	sadd.s32 $0x480, s18;
	s21 =	sadd.s32 $0x800, s18;
	s20 =	sadd.s32 $0x880, s18  }
0x100: {  	s24 =	sadd.s32 $0x680, s18;
	s23 =	sadd.s32 $0x700, s18;
	s22 =	sadd.s32 $0x780, s18;
	(v2sf) =	vpush v0, $0x8  }
0x101: {  	s2 =	sadd.s32 $0x500, s18;
	s25 =	sadd.s32 $0x600, s18;
	s9 =	spop (v2sf)  }
0x102: {  	s10 =	sadd.s32 $0x580, s18;
	s9 =	sand.u32 $0x1FFFFFF0, s9;
	s14 =	spop (v2sf);
	(v2sf) =	vpush v0, $0x9  }
0x103: {  	s9 =	sadd.s32 s3, s9;
	s14 =	sand.u32 $0x1FFFFFF0, s14;
	s12 =	spop (v2sf)  }
0x104: {  	[tilespmem:s30], [sflag:$0x1] =	stream.linear.gather [hbm4b:s9+s1], $0x80, $0x38;
	(v2sf) =	vpush v0, $0xA;
	[tilespmem:$0x14200] =	vst v63  }
0x105: {  	s9 =	sadd.s32 s3, s14;
	s12 =	sand.u32 $0x1FFFFFF0, s12;
	s14 =	spop (v2sf)  }
0x106: {  	[tilespmem:s26], [sflag:$0x1] =	stream.linear.gather [hbm4b:s9+s1], $0x80, $0x38;
	(v2sf) =	vpush v0, $0xB;
	[tilespmem:$0x14200] =	vst v63  }
0x107: {  	s9 =	sadd.s32 s3, s12;
	s12 =	sand.u32 $0x1FFFFFF0, s14;
	s14 =	spop (v2sf)  }
0x108: {  	[tilespmem:s31], [sflag:$0x1] =	stream.linear.gather [hbm4b:s9+s1], $0x80, $0x38;
	(v2sf) =	vpush v0, $0xC;
	[tilespmem:$0x14200] =	vst v63  }
0x109: {  	s9 =	sadd.s32 s3, s12;
	s12 =	sand.u32 $0x1FFFFFF0, s14;
	s14 =	spop (v2sf)  }
0x10a: {  	[tilespmem:s28], [sflag:$0x1] =	stream.linear.gather [hbm4b:s9+s1], $0x80, $0x38;
	(v2sf) =	vpush v0, $0xD;
	[tilespmem:$0x14200] =	vst v63  }
0x10b: {  	s9 =	sadd.s32 s3, s12;
	s12 =	sand.u32 $0x1FFFFFF0, s14;
	s14 =	spop (v2sf)  }
0x10c: {  	[tilespmem:s29], [sflag:$0x1] =	stream.linear.gather [hbm4b:s9+s1], $0x80, $0x38;
	(v2sf) =	vpush v0, $0xE;
	[tilespmem:$0x14200] =	vst v63  }
0x10d: {  	s9 =	sadd.s32 s3, s12;
	s12 =	sand.u32 $0x1FFFFFF0, s14;
	s14 =	spop (v2sf)  }
0x10e: {  	[tilespmem:s0], [sflag:$0x1] =	stream.linear.gather [hbm4b:s9+s1], $0x80, $0x38;
	(v2sf) =	vpush v0, $0xF;
	[tilespmem:$0x14200] =	vst v63  }
0x10f: {  	s0 =	sadd.s32 s3, s12;
	s9 =	sand.u32 $0x1FFFFFF0, s14;
	s12 =	spop (v2sf)  }
0x110: {  	[tilespmem:s2], [sflag:$0x1] =	stream.linear.gather [hbm4b:s0+s1], $0x80, $0x38;
	[tilespmem:$0x14200] =	vst v63  }
0x111: {  	s0 =	sadd.s32 s3, s9;
	s2 =	sand.u32 $0x1FFFFFF0, s12;
	s9 =	spop (v2sf)  }
0x112: {  	[tilespmem:s10], [sflag:$0x1] =	stream.linear.gather [hbm4b:s0+s1], $0x80, $0x38;
	[tilespmem:$0x14200] =	vst v63  }
0x113: {  	s0 =	sadd.s32 s3, s2;
	s2 =	sand.u32 $0x1FFFFFF0, s9;
	s9 =	spop (v2sf)  }
0x114: {  	[tilespmem:s25], [sflag:$0x1] =	stream.linear.gather [hbm4b:s0+s1], $0x80, $0x38;
	[tilespmem:$0x14200] =	vst v63  }
0x115: {  	s0 =	sadd.s32 s3, s2;
	s2 =	sand.u32 $0x1FFFFFF0, s9;
	s9 =	spop (v2sf)  }
0x116: {  	[tilespmem:s24], [sflag:$0x1] =	stream.linear.gather [hbm4b:s0+s1], $0x80, $0x38;
	[tilespmem:$0x14200] =	vst v63  }
0x117: {  	s0 =	sadd.s32 s3, s2;
	s2 =	sand.u32 $0x1FFFFFF0, s9;
	s9 =	spop (v2sf)  }
0x118: {  	[tilespmem:s23], [sflag:$0x1] =	stream.linear.gather [hbm4b:s0+s1], $0x80, $0x38;
	[tilespmem:$0x14200] =	vst v63  }
0x119: {  	s0 =	sadd.s32 s3, s2;
	s2 =	sand.u32 $0x1FFFFFF0, s9;
	s9 =	spop (v2sf)  }
0x11a: {  	[tilespmem:s22], [sflag:$0x1] =	stream.linear.gather [hbm4b:s0+s1], $0x80, $0x38;
	[tilespmem:$0x14200] =	vst v63  }
0x11b: {  	s0 =	sadd.s32 s3, s2;
	s2 =	sand.u32 $0x1FFFFFF0, s9;
	s9 =	spop (v2sf)  }
0x11c: {  	[tilespmem:s21], [sflag:$0x1] =	stream.linear.gather [hbm4b:s0+s1], $0x80, $0x38;
	[tilespmem:$0x14200] =	vst v63  }
0x11d: {  	s0 =	sadd.s32 s3, s2;
	s2 =	sand.u32 $0x1FFFFFF0, s9;
	s9 =	spop (v2sf)  }
0x11e: {  	[tilespmem:s20], [sflag:$0x1] =	stream.linear.gather [hbm4b:s0+s1], $0x80, $0x38;
	[tilespmem:$0x14200] =	vst v63  }
0x11f: {  	s2 =	sadd.s32 s3, s2;
	s0 =	sadd.s32 $0x900, s18;
	s9 =	sand.u32 $0x1FFFFFF0, s9  }
0x120: {  	[tilespmem:s0], [sflag:$0x1] =	stream.linear.gather [hbm4b:s2+s1], $0x80, $0x38;
	[tilespmem:$0x14200] =	vst v63  }
0x121: {  	s0 =	sadd.s32 s3, s9  }
0x122: {  	[tilespmem:s19], [sflag:$0x1] =	stream.linear.gather [hbm4b:s0+s1], $0x80, $0x38;
	[tilespmem:$0x14200] =	vst v63  }
0x123: {  	v0 =	vld [tilespmem:s16+$0x0];
	_ =	sdelay $0x4  }
0x124: {  	v0 =	vshll.u32 v0, $0x4  }
0x125: {  	(v2sf) =	vpush v0, $0x0  }
0x126: {  	(v2sf) =	vpush v0, $0x1  }
0x127: {  	(v2sf) =	vpush v0, $0x2;
	_ =	sdelay $0x1  }
0x128: {  	(v2sf) =	vpush v0, $0x3;
	_ =	sdelay $0x1  }
0x129: {  	(v2sf) =	vpush v0, $0x4;
	_ =	sdelay $0x1  }
0x12a: {  	(v2sf) =	vpush v0, $0x5;
	_ =	sdelay $0x1  }
0x12b: {  	(v2sf) =	vpush v0, $0x6  }
0x12c: {  	s20 =	sadd.s32 $0x1000, s18;
	s19 =	sadd.s32 $0x1080, s18  }
0x12d: {  	s23 =	sadd.s32 $0xE80, s18;
	s22 =	sadd.s32 $0xF00, s18;
	s21 =	sadd.s32 $0xF80, s18;
	(v2sf) =	vpush v0, $0x7  }
0x12e: {  	s26 =	sadd.s32 $0xD00, s18;
	s25 =	sadd.s32 $0xD80, s18;
	s24 =	sadd.s32 $0xE00, s18  }
0x12f: {  	s2 =	sadd.s32 $0xC00, s18;
	s9 =	sadd.s32 $0xC80, s18;
	s0 =	sadd.s32 $0xB80, s18;
	(v2sf) =	vpush v0, $0x8  }
0x130: {  	s12 =	sadd.s32 $0xB00, s18;
	s10 =	sadd.s32 $0xA80, s18;
	s14 =	spop (v2sf)  }
0x131: {  	s28 =	sadd.s32 $0xA00, s18;
	s14 =	sand.u32 $0x1FFFFFF0, s14;
	s29 =	spop (v2sf);
	(v2sf) =	vpush v0, $0x9  }
0x132: {  	s14 =	sadd.s32 s3, s14;
	s29 =	sand.u32 $0x1FFFFFF0, s29;
	s30 =	spop (v2sf)  }
0x133: {  	[tilespmem:s28], [sflag:$0x1] =	stream.linear.gather [hbm4b:s14+s1], $0x80, $0x38;
	(v2sf) =	vpush v0, $0xA;
	[tilespmem:$0x14200] =	vst v63  }
0x134: {  	s14 =	sadd.s32 s3, s29;
	s28 =	sand.u32 $0x1FFFFFF0, s30;
	s29 =	spop (v2sf)  }
0x135: {  	[tilespmem:s10], [sflag:$0x1] =	stream.linear.gather [hbm4b:s14+s1], $0x80, $0x38;
	(v2sf) =	vpush v0, $0xB;
	[tilespmem:$0x14200] =	vst v63  }
0x136: {  	s10 =	sadd.s32 s3, s28;
	s14 =	sand.u32 $0x1FFFFFF0, s29;
	s28 =	spop (v2sf)  }
0x137: {  	[tilespmem:s12], [sflag:$0x1] =	stream.linear.gather [hbm4b:s10+s1], $0x80, $0x38;
	(v2sf) =	vpush v0, $0xC;
	[tilespmem:$0x14200] =	vst v63  }
0x138: {  	s10 =	sadd.s32 s3, s14;
	s12 =	sand.u32 $0x1FFFFFF0, s28;
	s14 =	spop (v2sf)  }
0x139: {  	[tilespmem:s0], [sflag:$0x1] =	stream.linear.gather [hbm4b:s10+s1], $0x80, $0x38;
	(v2sf) =	vpush v0, $0xD;
	[tilespmem:$0x14200] =	vst v63  }
0x13a: {  	s0 =	sadd.s32 s3, s12;
	s10 =	sand.u32 $0x1FFFFFF0, s14;
	s12 =	spop (v2sf)  }
0x13b: {  	[tilespmem:s2], [sflag:$0x1] =	stream.linear.gather [hbm4b:s0+s1], $0x80, $0x38;
	(v2sf) =	vpush v0, $0xE;
	[tilespmem:$0x14200] =	vst v63  }
0x13c: {  	s0 =	sadd.s32 s3, s10;
	s2 =	sand.u32 $0x1FFFFFF0, s12;
	s10 =	spop (v2sf)  }
0x13d: {  	[tilespmem:s9], [sflag:$0x1] =	stream.linear.gather [hbm4b:s0+s1], $0x80, $0x38;
	(v2sf) =	vpush v0, $0xF;
	[tilespmem:$0x14200] =	vst v63  }
0x13e: {  	s0 =	sadd.s32 s3, s2;
	s2 =	sand.u32 $0x1FFFFFF0, s10;
	s9 =	spop (v2sf)  }
0x13f: {  	[tilespmem:s26], [sflag:$0x1] =	stream.linear.gather [hbm4b:s0+s1], $0x80, $0x38;
	[tilespmem:$0x14200] =	vst v63  }
0x140: {  	s0 =	sadd.s32 s3, s2;
	s2 =	sand.u32 $0x1FFFFFF0, s9;
	s9 =	spop (v2sf)  }
0x141: {  	[tilespmem:s25], [sflag:$0x1] =	stream.linear.gather [hbm4b:s0+s1], $0x80, $0x38;
	[tilespmem:$0x14200] =	vst v63  }
0x142: {  	s0 =	sadd.s32 s3, s2;
	s2 =	sand.u32 $0x1FFFFFF0, s9;
	s9 =	spop (v2sf)  }
0x143: {  	[tilespmem:s24], [sflag:$0x1] =	stream.linear.gather [hbm4b:s0+s1], $0x80, $0x38;
	[tilespmem:$0x14200] =	vst v63  }
0x144: {  	s0 =	sadd.s32 s3, s2;
	s2 =	sand.u32 $0x1FFFFFF0, s9;
	s9 =	spop (v2sf)  }
0x145: {  	[tilespmem:s23], [sflag:$0x1] =	stream.linear.gather [hbm4b:s0+s1], $0x80, $0x38;
	[tilespmem:$0x14200] =	vst v63  }
0x146: {  	s0 =	sadd.s32 s3, s2;
	s2 =	sand.u32 $0x1FFFFFF0, s9;
	s9 =	spop (v2sf)  }
0x147: {  	[tilespmem:s22], [sflag:$0x1] =	stream.linear.gather [hbm4b:s0+s1], $0x80, $0x38;
	[tilespmem:$0x14200] =	vst v63  }
0x148: {  	s0 =	sadd.s32 s3, s2;
	s2 =	sand.u32 $0x1FFFFFF0, s9;
	s9 =	spop (v2sf)  }
0x149: {  	[tilespmem:s21], [sflag:$0x1] =	stream.linear.gather [hbm4b:s0+s1], $0x80, $0x38;
	[tilespmem:$0x14200] =	vst v63  }
0x14a: {  	s0 =	sadd.s32 s3, s2;
	s2 =	sand.u32 $0x1FFFFFF0, s9;
	s9 =	spop (v2sf)  }
0x14b: {  	[tilespmem:s20], [sflag:$0x1] =	stream.linear.gather [hbm4b:s0+s1], $0x80, $0x38;
	[tilespmem:$0x14200] =	vst v63  }
0x14c: {  	s0 =	sadd.s32 s3, s2;
	s2 =	sand.u32 $0x1FFFFFF0, s9;
	s9 =	spop (v2sf)  }
0x14d: {  	[tilespmem:s19], [sflag:$0x1] =	stream.linear.gather [hbm4b:s0+s1], $0x80, $0x38;
	[tilespmem:$0x14200] =	vst v63  }
0x14e: {  	s2 =	sadd.s32 s3, s2;
	s0 =	sadd.s32 $0x1100, s18;
	s9 =	sand.u32 $0x1FFFFFF0, s9  }
0x14f: {  	[tilespmem:s0], [sflag:$0x1] =	stream.linear.gather [hbm4b:s2+s1], $0x80, $0x38;
	[tilespmem:$0x14200] =	vst v63  }
0x150: {  	s0 =	sadd.s32 $0x1180, s18;
	s2 =	sadd.s32 s3, s9  }
0x151: {  	[tilespmem:s0], [sflag:$0x1] =	stream.linear.gather [hbm4b:s2+s1], $0x80, $0x38;
	[tilespmem:$0x14200] =	vst v63  }
0x152: {  	_ =	swait.ge [sflag:s13], $0x80  }
0x153: {  	[sflag:s13] =	ssyncset.done $0x0  }
0x154: {  	[sflag:s13] =	ssyncadd.s32 $0xFFFFFF80  }
0x155: {  	_ =	swait.ge [sflag:s13], $0x80  }
0x156: {  	[sflag:s13] =	ssyncset.done $0x0  }
0x157: {  	[sflag:s13] =	ssyncadd.s32 $0xFFFFFF80  }
0x158: {  	_ =	swait.ge [sflag:s13], $0x80  }
0x159: {  	[sflag:s13] =	ssyncset.done $0x0  }
0x15a: {  	[sflag:s13] =	ssyncadd.s32 $0xFFFFFF80  }
0x15b: {  	_ =	swait.ge [sflag:s13], $0x80  }
0x15c: {  	[sflag:s13] =	ssyncset.done $0x0  }
0x15d: {  	[sflag:s13] =	ssyncadd.s32 $0xFFFFFF80  }
0x15e: {  	_ =	swait.ge [sflag:s13], $0x80  }
0x15f: {  	[sflag:s13] =	ssyncset.done $0x0  }
0x160: {  	[sflag:s13] =	ssyncadd.s32 $0xFFFFFF80  }
0x161: {  	_ =	swait.ge [sflag:s13], $0x80  }
0x162: {  	[sflag:s13] =	ssyncset.done $0x0  }
0x163: {  	[sflag:s13] =	ssyncadd.s32 $0xFFFFFF80  }
0x164: {  	_ =	swait.ge [sflag:s13], $0x80  }
0x165: {  	[sflag:s13] =	ssyncset.done $0x0  }
0x166: {  	[sflag:s13] =	ssyncadd.s32 $0xFFFFFF80  }
0x167: {  	_ =	swait.ge [sflag:s13], $0x80  }
0x168: {  	[sflag:s13] =	ssyncset.done $0x0  }
0x169: {  	[sflag:s13] =	ssyncadd.s32 $0xFFFFFF80  }
0x16a: {  	_ =	swait.ge [sflag:s13], $0x80  }
0x16b: {  	[sflag:s13] =	ssyncset.done $0x0  }
0x16c: {  	[sflag:s13] =	ssyncadd.s32 $0xFFFFFF80  }
0x16d: {  	_ =	swait.ge [sflag:s13], $0x80  }
0x16e: {  	[sflag:s13] =	ssyncset.done $0x0  }
0x16f: {  	[sflag:s13] =	ssyncadd.s32 $0xFFFFFF80  }
0x170: {  	_ =	swait.ge [sflag:s13], $0x80  }
0x171: {  	[sflag:s13] =	ssyncset.done $0x0  }
0x172: {  	[sflag:s13] =	ssyncadd.s32 $0xFFFFFF80  }
0x173: {  	_ =	swait.ge [sflag:s13], $0x80  }
0x174: {  	[sflag:s13] =	ssyncset.done $0x0  }
0x175: {  	[sflag:s13] =	ssyncadd.s32 $0xFFFFFF80  }
0x176: {  	_ =	swait.ge [sflag:s13], $0x80  }
0x177: {  	[sflag:s13] =	ssyncset.done $0x0  }
0x178: {  	[sflag:s13] =	ssyncadd.s32 $0xFFFFFF80  }
0x179: {  	_ =	swait.ge [sflag:s13], $0x80  }
0x17a: {  	[sflag:s13] =	ssyncset.done $0x0  }
0x17b: {  	[sflag:s13] =	ssyncadd.s32 $0xFFFFFF80  }
0x17c: {  	_ =	swait.ge [sflag:s13], $0x80  }
0x17d: {  	[sflag:s13] =	ssyncset.done $0x0  }
0x17e: {  	[sflag:s13] =	ssyncadd.s32 $0xFFFFFF80  }
0x17f: {  	_ =	swait.ge [sflag:s13], $0x80  }
0x180: {  	[sflag:s13] =	ssyncset.done $0x0  }
0x181: {  	[sflag:s13] =	ssyncadd.s32 $0xFFFFFF80  }
0x182: {  	_ =	swait.ge [sflag:s13], $0x80  }
0x183: {  	[sflag:s13] =	ssyncset.done $0x0  }
0x184: {  	[sflag:s13] =	ssyncadd.s32 $0xFFFFFF80  }
0x185: {  	_ =	swait.ge [sflag:s13], $0x80  }
0x186: {  	[sflag:s13] =	ssyncset.done $0x0  }
0x187: {  	[sflag:s13] =	ssyncadd.s32 $0xFFFFFF80  }
0x188: {  	_ =	swait.ge [sflag:s13], $0x80  }
0x189: {  	[sflag:s13] =	ssyncset.done $0x0  }
0x18a: {  	[sflag:s13] =	ssyncadd.s32 $0xFFFFFF80  }
0x18b: {  	_ =	swait.ge [sflag:s13], $0x80  }
0x18c: {  	[sflag:s13] =	ssyncset.done $0x0  }
0x18d: {  	[sflag:s13] =	ssyncadd.s32 $0xFFFFFF80  }
0x18e: {  	_ =	swait.ge [sflag:s13], $0x80  }
0x18f: {  	[sflag:s13] =	ssyncset.done $0x0  }
0x190: {  	[sflag:s13] =	ssyncadd.s32 $0xFFFFFF80  }
0x191: {  	_ =	swait.ge [sflag:s13], $0x80  }
0x192: {  	[sflag:s13] =	ssyncset.done $0x0  }
0x193: {  	[sflag:s13] =	ssyncadd.s32 $0xFFFFFF80  }
0x194: {  	_ =	swait.ge [sflag:s13], $0x80  }
0x195: {  	[sflag:s13] =	ssyncset.done $0x0  }
0x196: {  	[sflag:s13] =	ssyncadd.s32 $0xFFFFFF80  }
0x197: {  	_ =	swait.ge [sflag:s13], $0x80  }
0x198: {  	[sflag:s13] =	ssyncset.done $0x0  }
0x199: {  	[sflag:s13] =	ssyncadd.s32 $0xFFFFFF80  }
0x19a: {  	_ =	swait.ge [sflag:s13], $0x80  }
0x19b: {  	[sflag:s13] =	ssyncset.done $0x0  }
0x19c: {  	[sflag:s13] =	ssyncadd.s32 $0xFFFFFF80  }
0x19d: {  	_ =	swait.ge [sflag:s13], $0x80  }
0x19e: {  	[sflag:s13] =	ssyncset.done $0x0  }
0x19f: {  	[sflag:s13] =	ssyncadd.s32 $0xFFFFFF80  }
0x1a0: {  	_ =	swait.ge [sflag:s13], $0x80  }
0x1a1: {  	[sflag:s13] =	ssyncset.done $0x0  }
0x1a2: {  	[sflag:s13] =	ssyncadd.s32 $0xFFFFFF80  }
0x1a3: {  	_ =	swait.ge [sflag:s13], $0x80  }
0x1a4: {  	[sflag:s13] =	ssyncset.done $0x0  }
0x1a5: {  	[sflag:s13] =	ssyncadd.s32 $0xFFFFFF80  }
.Ltmp0:
0x1a6: {  	_ =	swait.ge [sflag:s13], $0x80;
	(pc) =	sbr.rel @p0 .LBB2_2-.Ltmp0, $4  }
0x1a7: {  	[sflag:s13] =	ssyncset.done $0x0  }
0x1a8: {  	[sflag:s13] =	ssyncadd.s32 $0xFFFFFF80  }
0x1a9: {  	_ =	swait.ge [sflag:s13], $0x80  }
0x1aa: {  	[sflag:s13] =	ssyncset.done $0x0  }
0x1ab: {  	[sflag:s13] =	ssyncadd.s32 $0xFFFFFF80  }
0x1ac: {  	_ =	swait.ge [sflag:s13], $0x80  }
0x1ad: {  	[sflag:s13] =	ssyncset.done $0x0  }
0x1ae: {  	[sflag:s13] =	ssyncadd.s32 $0xFFFFFF80  }
0x1af: {  	s15 =	sadd.s32 $0x1, s15;
	_ =	swait.ge [sflag:s13], $0x80  }
0x1b0: {  	p0 =	sne.s32 s15, s8;
	[sflag:s13] =	ssyncset.done $0x0  }
.Ltmp1:
0x1b1: {  	s0 =	simm.s32 $0x200;
	[sflag:s13] =	ssyncadd.s32 $0xFFFFFF80;
	(pc) =	sbr.rel @p0 .LBB2_1-.Ltmp1, $4  }
0x1b2: {  	[hbm4b:s7+s1] =	stream.linear.scatter [tilespmem:s0], [sflag:$0x2], $0x10000, $0x38;
	[tilespmem:$0x14200] =	vst v63  }
0x1b3: {  	_ =	swait.ge [sflag:s11], $0x10000  }
0x1b4: {  	[sflag:s11] =	ssyncset.done $0x0  }
0x1b5: {  	[sflag:s11] =	ssyncadd.s32 $0xFFFF0000  }
0x1b6: {  	_ =	sfence.sel $0x180000  }
0x1b7: {  	[bflag:$0x0] =	sbarrier.arrive $0xFFFF  }
0x1b8: {  	_ =	strace $0x90000047  }
0x1b9: {  	s0 =	stileid.u32;
	[bflag:$0x2] =	sbarrier.arrive $0xFFFF  }
0x1ba: {  	p0 =	sne.s32 s0, $0x0;
	s0 =	rddreg [dreg:$0x3]  }
0x1bb: {  	s0 =	sadd.s32 @!p0 $0x100000, s0  }
0x1bc: {  	[sflag:s0] =	ssyncadd.tile.s32 @!p0 $0x1;
	_ =	shalt  }
.Lfunc_end2:
_tile_overlayer_lowered:
.L_overlay_start_2:
0x1bd: {  	(tag) =	ssettag $0x2  }
0x1be: {  	s0 =	rddreg [dreg:$0x0];
	s2 =	stileid.u32  }
0x1bf: {  	s1 =	rddreg [dreg:$0x1];
	p0 =	sne.s32 s2, $0x0  }
0x1c0: {  	s3 =	rddreg [dreg:$0x2];
	[bflag:$0x3] =	sbarrier.arrive $0xFFFF;
	s2 =	simm.s32 @!p0 $0x1C02  }
0x1c1: {  	[timem:s3], [sflag:s2] =	dma.local @!p0 [hbm:s0], s1  }
0x1c2: {  	s0 =	simm.s32 @!p0 $0x2  }
0x1c3: {  	_ =	swait.ge @!p0 [sflag:s0], s1  }
0x1c4: {  	s1 =	ssub.s32 @!p0 $0x0, s1;
	[sflag:s0] =	ssyncset.done @!p0 $0x0  }
0x1c5: {  	[sflag:s0] =	ssyncadd.s32 @!p0 s1  }
0x1c6: {  	[bflag:$0x3] =	sbarrier.arrive $0xFFFF  }
0x1c7: {  	_ =	shalt  }

</sc_bundles>
